<compile_context>
chip_gen: v7x
topology: tpu7x:2x2x1
jax: 0.10.2.dev20260603
libtpu: 0.0.44.dev20260713+nightly
codegen_flags: <defaults>
</compile_context>

<pallas_src>
import functools

import jax
import jax.numpy as jnp
from jax import lax
from jax.experimental import pallas as pl
from jax.experimental.pallas import tpu as pltpu
from jax.experimental.pallas import tpu_sc as plsc

N = 50000
NWK = 16
CHUNK = 3136
TAIL = N - (NWK - 1) * CHUNK
NV = CHUNK // 16
NV_TAIL = TAIL // 16
NID = 1024
L = 16
COLS = NID // NWK
NST = 5 * L
NSTP = 128
ROW = NID + NWK * NSTP


def _loss_body(beta_hbm, pid_hbm, init_hbm, out_hbm,
               beta_v, pid_v, acc_v, red_v, seg_v, st2_v, stf_v, out_v,
               sem, sh_all):
    wid = lax.axis_index("s")
    base = wid * CHUNK

    cp_b = pltpu.make_async_copy(beta_hbm.at[pl.ds(base, CHUNK)], beta_v, sem)
    cp_p = pltpu.make_async_copy(pid_hbm.at[pl.ds(base, CHUNK)], pid_v, sem)
    cp_bt = pltpu.make_async_copy(beta_hbm.at[pl.ds(base, TAIL)],
                                  beta_v.at[pl.ds(0, TAIL)], sem)
    cp_pt = pltpu.make_async_copy(pid_hbm.at[pl.ds(base, TAIL)],
                                  pid_v.at[pl.ds(0, TAIL)], sem)

    @pl.when(wid < NWK - 1)
    def _():
        cp_b.start()
        cp_p.start()

    @pl.when(wid == NWK - 1)
    def _():
        cp_bt.start()
        cp_pt.start()

    cp_init = pltpu.make_async_copy(init_hbm, acc_v, sem)
    cp_init.start()

    @pl.when(wid < NWK - 1)
    def _():
        cp_b.wait()
        cp_p.wait()

    @pl.when(wid == NWK - 1)
    def _():
        cp_bt.wait()
        cp_pt.wait()

    pad_ids = jnp.full((L,), NID - 1, jnp.int32)

    def pbody(t, carry):
        pid_v[pl.ds(NV_TAIL * L + t * L, L)] = pad_ids
        return carry

    @pl.when(wid == NWK - 1)
    def _():
        lax.fori_loop(0, NV - NV_TAIL, pbody, 0)

    cp_init.wait()

    laneoff = lax.iota(jnp.int32, L) * NID

    def body(i, carry):
        s, c = carry
        for u in range(2):
            ids = pid_v[pl.ds(i * 2 * L + u * L, L)]
            bet = beta_v[pl.ds(i * 2 * L + u * L, L)]
            is0 = ids == 0
            s = s + jnp.where(is0, bet, 0.0)
            c = c + jnp.where(is0, 1.0, 0.0)
            idx = laneoff + ids
            g = plsc.load_gather(acc_v, [idx])
            plsc.store_scatter(acc_v, [idx], jnp.maximum(g, bet))
        return (s, c)

    zero = jnp.zeros((L,), jnp.float32)
    s, c = lax.fori_loop(0, NV // 2, body, (zero, zero))

    def rbody(j, carry):
        m = acc_v[pl.ds(j * L, L)]
        for k in range(1, L):
            m = jnp.maximum(m, acc_v[pl.ds(j * L + k * NID, L)])
        red_v[pl.ds(j * L, L)] = m
        return carry

    lax.fori_loop(0, NID // L, rbody, 0)

    def cbody(cb, carry):
        pltpu.async_copy(red_v.at[pl.ds(cb * COLS, COLS)],
                         sh_all.at[cb, pl.ds(wid * COLS, COLS)], sem)
        return carry

    lax.fori_loop(0, NWK, cbody, 0)
    row0 = wid * 0
    pltpu.make_async_copy(red_v, sh_all.at[row0, pl.ds(0, NID)], sem).wait()
    plsc.subcore_barrier()

    pltpu.sync_copy(sh_all.at[wid, pl.ds(0, NID)], seg_v)
    sig_v = jnp.zeros((L,), jnp.float32)
    pc_v = jnp.zeros((L,), jnp.float32)
    z_v = jnp.zeros((L,), jnp.float32)

    def jbody(j, carry):
        sig_v, pc_v, z_v = carry
        m = seg_v[pl.ds(j * L, L)]
        for k in range(1, NWK):
            m = jnp.maximum(m, seg_v[pl.ds(k * COLS + j * L, L)])
        gid = lax.iota(jnp.int32, L) + (wid * COLS + j * L)
        pres = (gid >= 1) & (gid < 1000) & (m >= 0.0)
        pc_v = pc_v + jnp.where(pres, 1.0, 0.0)
        sig_v = sig_v + jnp.where(pres, 1.0 - jnp.where(m > 0.0, m, 0.0), 0.0)
        z_v = z_v + jnp.where(pres & (m == 0.0), 1.0, 0.0)
        return (sig_v, pc_v, z_v)

    sig_v, pc_v, z_v = lax.fori_loop(0, COLS // L, jbody, (sig_v, pc_v, z_v))
    st2_v[pl.ds(0, L)] = sig_v
    st2_v[pl.ds(L, L)] = pc_v
    st2_v[pl.ds(2 * L, L)] = z_v
    st2_v[pl.ds(3 * L, L)] = s
    st2_v[pl.ds(4 * L, L)] = c
    pltpu.sync_copy(st2_v, sh_all.at[row0, pl.ds(NID + wid * NSTP, NSTP)])
    plsc.subcore_barrier()

    @pl.when(wid == 0)
    def _():
        pltpu.sync_copy(sh_all.at[row0, pl.ds(NID, NWK * NSTP)], stf_v)

        def fbody(k, carry):
            sig_a, pc_a, z_a, bgs_a, bgc_a = carry
            sig_a = sig_a + stf_v[pl.ds(k * NSTP, L)]
            pc_a = pc_a + stf_v[pl.ds(k * NSTP + L, L)]
            z_a = z_a + stf_v[pl.ds(k * NSTP + 2 * L, L)]
            bgs_a = bgs_a + stf_v[pl.ds(k * NSTP + 3 * L, L)]
            bgc_a = bgc_a + stf_v[pl.ds(k * NSTP + 4 * L, L)]
            return (sig_a, pc_a, z_a, bgs_a, bgc_a)

        sig_a, pc_a, z_a, bgs_a, bgc_a = lax.fori_loop(
            0, NWK, fbody, (zero, zero, zero, zero, zero))
        b0 = beta_v[pl.ds(0, L)][0]
        ones = jnp.ones((L,), jnp.float32)
        v_sig = ones * jnp.sum(sig_a) - (ones * jnp.sum(z_a)) * (ones * b0)
        v_pc = ones * jnp.sum(pc_a)
        v_bgs = ones * jnp.sum(bgs_a)
        v_bgc = ones * jnp.sum(bgc_a)
        v_out = v_sig / v_pc + 0.1 * (v_bgs / jnp.maximum(v_bgc, 1.0))
        out_v[...] = jnp.where(v_bgc > 0.0, v_out, 0.0)
        pltpu.sync_copy(out_v, out_hbm)


_loss = functools.partial(
    pl.kernel,
    out_type=jax.ShapeDtypeStruct((L,), jnp.float32),
    mesh=plsc.VectorSubcoreMesh(
        core_axis_name="c", subcore_axis_name="s",
        num_cores=1, num_subcores=NWK,
    ),
    compiler_params=pltpu.CompilerParams(needs_layout_passes=False),
    scratch_types=[
        pltpu.VMEM((CHUNK,), jnp.float32),
        pltpu.VMEM((CHUNK,), jnp.int32),
        pltpu.VMEM((L * NID,), jnp.float32),
        pltpu.VMEM((NID,), jnp.float32),
        pltpu.VMEM((NID,), jnp.float32),
        pltpu.VMEM((NSTP,), jnp.float32),
        pltpu.VMEM((NWK * NSTP,), jnp.float32),
        pltpu.VMEM((L,), jnp.float32),
        pltpu.SemaphoreType.DMA,
        pltpu.VMEM_SHARED((NWK, ROW), jnp.float32),
    ],
)(_loss_body)


def kernel(w, beta, x, y, particle_id):
    del w, x, y
    init = jnp.full((L * NID,), -1.0, jnp.float32)
    out = _loss(beta, particle_id, init)
    return out[0]

# --- scband reference (transcript-rebuilt; emitter-appended) ---
"""Pipeline reference for scband-background-loss-45432164057702 (READ-ONLY COPY).

The authoritative reference and input builder live on the scoring server;
editing this copy changes nothing except your own understanding.
"""

import jax, jax.numpy as jnp
import numpy as np

SB = 0.1


def setup_inputs(seed: int = 0) -> dict:
    key = jax.random.key(seed)
    k1, k2, k3, k4, k5 = jax.random.split(key, 5)
    N = 50000
    w = jax.random.uniform(k1, (N,), dtype=jnp.float32)
    beta = jax.random.uniform(k2, (N,), dtype=jnp.float32)
    x = jax.random.normal(k3, (N, 3), dtype=jnp.float32)
    y = jax.random.normal(k4, (N,), dtype=jnp.float32)
    particle_id = jax.random.randint(k5, (N,), 0, 1000, dtype=jnp.int32)
    return {"w": w, "beta": beta, "x": x, "y": y, "particle_id": particle_id}


def reference(w, beta, x, y, particle_id):
    # Faithful translation of BackgroundLoss.background_loss
    cand = jnp.arange(1, 1000, dtype=particle_id.dtype)
    masks = particle_id[:, None] == cand[None, :]
    present = jnp.any(masks, axis=0)
    alphas = jnp.argmax(masks * beta[:, None], axis=0)
    beta_alphas = beta[alphas]
    n = particle_id == 0
    n_count = jnp.sum(n)
    sig = jnp.sum(jnp.where(present, 1.0 - beta_alphas, 0.0)) / jnp.sum(present)
    bg = jnp.sum(jnp.where(n, beta, 0.0)) / jnp.maximum(n_count, 1)
    return jnp.where(
        n_count > 0,
        sig + SB * bg,
        jnp.array(0.0, dtype=jnp.float32),
    )

if __name__ == "__main__":
    import jax
    _d = setup_inputs()
    print(jax.jit(kernel)(*tuple(_d.values())))

</pallas_src>

<mosaic_0001>
#map = affine_map<(d0, d1) -> (0)>
module attributes {stable_mosaic.version = 14 : i64} {
  func.func @_loss_body(%arg0: i32, %arg1: i32, %arg2: memref<50000xf32, #tpu.memory_space<hbm>>, %arg3: memref<50000xi32, #tpu.memory_space<hbm>>, %arg4: memref<16384xf32, #tpu.memory_space<hbm>>, %arg5: memref<16xf32, #tpu.memory_space<hbm>>, %arg6: memref<3136xf32, #tpu.memory_space<vmem>>, %arg7: memref<3136xi32, #tpu.memory_space<vmem>>, %arg8: memref<16384xf32, #tpu.memory_space<vmem>>, %arg9: memref<1024xf32, #tpu.memory_space<vmem>>, %arg10: memref<1024xf32, #tpu.memory_space<vmem>>, %arg11: memref<128xf32, #tpu.memory_space<vmem>>, %arg12: memref<2048xf32, #tpu.memory_space<vmem>>, %arg13: memref<16xf32, #tpu.memory_space<vmem>>, %arg14: memref<!tpu.dma_semaphore, #tpu.memory_space<semaphore_mem>>, %arg15: memref<16x3072xf32, #tpu.memory_space<vmem_shared>>) attributes {dimension_semantics = [#tpu.dimension_semantics<core_parallel>, #tpu.dimension_semantics<subcore_parallel>], iteration_bounds = array<i64: 1, 16>, scalar_prefetch = 0 : i64, scratch_operands = 10 : i64, tpu.core_type = #tpu.core_type<sc_vector_subcore>, window_params = [{transform_indices = #map}, {transform_indices = #map}, {transform_indices = #map}, {transform_indices = #map}]} {
    %mul3A = arith.constant 3136 : i32
    %mul3A_0 = arith.muli %arg1, %mul3A : i32
    %lt3A = arith.constant 15 : i32
    %lt3A_1 = arith.cmpi slt, %arg1, %lt3A : i32
    %convert_element_type3A = arith.extui %lt3A_1 : i1 to i32
    %cond3A = arith.constant 0 : i32
    %cond3A_2 = arith.cmpi ne, %convert_element_type3A, %cond3A : i32
    scf.if %cond3A_2 {
      %dma_start3A = tpu.memref_slice %arg2[%mul3A_0] : memref<50000xf32, #tpu.memory_space<hbm>> -> memref<3136xf32, #tpu.memory_space<hbm>>
      %dma_start3A_82 = tpu.memref_slice %arg2[%mul3A_0] : memref<50000xf32, #tpu.memory_space<hbm>> -> memref<3136xf32, #tpu.memory_space<hbm>>
      tpu.enqueue_dma source(%dma_start3A_82 : memref<3136xf32, #tpu.memory_space<hbm>>) target(%arg6 : memref<3136xf32, #tpu.memory_space<vmem>>) target_semaphore(%arg14 : memref<!tpu.dma_semaphore, #tpu.memory_space<semaphore_mem>>)
      %dma_start3A_83 = tpu.memref_slice %arg3[%mul3A_0] : memref<50000xi32, #tpu.memory_space<hbm>> -> memref<3136xi32, #tpu.memory_space<hbm>>
      %dma_start3A_84 = tpu.memref_slice %arg3[%mul3A_0] : memref<50000xi32, #tpu.memory_space<hbm>> -> memref<3136xi32, #tpu.memory_space<hbm>>
      tpu.enqueue_dma source(%dma_start3A_84 : memref<3136xi32, #tpu.memory_space<hbm>>) target(%arg7 : memref<3136xi32, #tpu.memory_space<vmem>>) target_semaphore(%arg14 : memref<!tpu.dma_semaphore, #tpu.memory_space<semaphore_mem>>)
    } else {
    }
    %eq3A = arith.constant 15 : i32
    %eq3A_3 = arith.cmpi eq, %arg1, %eq3A : i32
    %convert_element_type3A_4 = arith.extui %eq3A_3 : i1 to i32
    %cond3A_5 = arith.constant 0 : i32
    %cond3A_6 = arith.cmpi ne, %convert_element_type3A_4, %cond3A_5 : i32
    scf.if %cond3A_6 {
      %dma_start3A = arith.constant 0 : i32
      %dma_start3A_82 = tpu.memref_slice %arg6[%dma_start3A] : memref<3136xf32, #tpu.memory_space<vmem>> -> memref<2960xf32, #tpu.memory_space<vmem>>
      %dma_start3A_83 = tpu.memref_slice %arg2[%mul3A_0] : memref<50000xf32, #tpu.memory_space<hbm>> -> memref<2960xf32, #tpu.memory_space<hbm>>
      %dma_start3A_84 = arith.constant 0 : i32
      %dma_start3A_85 = tpu.memref_slice %arg6[%dma_start3A_84] : memref<3136xf32, #tpu.memory_space<vmem>> -> memref<2960xf32, #tpu.memory_space<vmem>>
      %dma_start3A_86 = tpu.memref_slice %arg2[%mul3A_0] : memref<50000xf32, #tpu.memory_space<hbm>> -> memref<2960xf32, #tpu.memory_space<hbm>>
      tpu.enqueue_dma source(%dma_start3A_86 : memref<2960xf32, #tpu.memory_space<hbm>>) target(%dma_start3A_85 : memref<2960xf32, #tpu.memory_space<vmem>>) target_semaphore(%arg14 : memref<!tpu.dma_semaphore, #tpu.memory_space<semaphore_mem>>)
      %dma_start3A_87 = arith.constant 0 : i32
      %dma_start3A_88 = tpu.memref_slice %arg7[%dma_start3A_87] : memref<3136xi32, #tpu.memory_space<vmem>> -> memref<2960xi32, #tpu.memory_space<vmem>>
      %dma_start3A_89 = tpu.memref_slice %arg3[%mul3A_0] : memref<50000xi32, #tpu.memory_space<hbm>> -> memref<2960xi32, #tpu.memory_space<hbm>>
      %dma_start3A_90 = arith.constant 0 : i32
      %dma_start3A_91 = tpu.memref_slice %arg7[%dma_start3A_90] : memref<3136xi32, #tpu.memory_space<vmem>> -> memref<2960xi32, #tpu.memory_space<vmem>>
      %dma_start3A_92 = tpu.memref_slice %arg3[%mul3A_0] : memref<50000xi32, #tpu.memory_space<hbm>> -> memref<2960xi32, #tpu.memory_space<hbm>>
      tpu.enqueue_dma source(%dma_start3A_92 : memref<2960xi32, #tpu.memory_space<hbm>>) target(%dma_start3A_91 : memref<2960xi32, #tpu.memory_space<vmem>>) target_semaphore(%arg14 : memref<!tpu.dma_semaphore, #tpu.memory_space<semaphore_mem>>)
    } else {
    }
    tpu.enqueue_dma source(%arg4 : memref<16384xf32, #tpu.memory_space<hbm>>) target(%arg8 : memref<16384xf32, #tpu.memory_space<vmem>>) target_semaphore(%arg14 : memref<!tpu.dma_semaphore, #tpu.memory_space<semaphore_mem>>)
    %lt3A_7 = arith.constant 15 : i32
    %lt3A_8 = arith.cmpi slt, %arg1, %lt3A_7 : i32
    %convert_element_type3A_9 = arith.extui %lt3A_8 : i1 to i32
    %cond3A_10 = arith.constant 0 : i32
    %cond3A_11 = arith.cmpi ne, %convert_element_type3A_9, %cond3A_10 : i32
    scf.if %cond3A_11 {
      %dma_wait3A_82 = tpu.memref_slice %arg2[%mul3A_0] : memref<50000xf32, #tpu.memory_space<hbm>> -> memref<3136xf32, #tpu.memory_space<hbm>>
      %dma_wait3A_83 = tpu.memref_slice %arg2[%mul3A_0] : memref<50000xf32, #tpu.memory_space<hbm>> -> memref<3136xf32, #tpu.memory_space<hbm>>
      tpu.wait_dma2 semaphore(%arg14 : memref<!tpu.dma_semaphore, #tpu.memory_space<semaphore_mem>>) src(%dma_wait3A_83 : memref<3136xf32, #tpu.memory_space<hbm>>) dst(%arg6 : memref<3136xf32, #tpu.memory_space<vmem>>)
      %dma_wait3A_84 = tpu.memref_slice %arg3[%mul3A_0] : memref<50000xi32, #tpu.memory_space<hbm>> -> memref<3136xi32, #tpu.memory_space<hbm>>
      %dma_wait3A_85 = tpu.memref_slice %arg3[%mul3A_0] : memref<50000xi32, #tpu.memory_space<hbm>> -> memref<3136xi32, #tpu.memory_space<hbm>>
      tpu.wait_dma2 semaphore(%arg14 : memref<!tpu.dma_semaphore, #tpu.memory_space<semaphore_mem>>) src(%dma_wait3A_85 : memref<3136xi32, #tpu.memory_space<hbm>>) dst(%arg7 : memref<3136xi32, #tpu.memory_space<vmem>>)
    } else {
    }
    %eq3A_12 = arith.constant 15 : i32
    %eq3A_13 = arith.cmpi eq, %arg1, %eq3A_12 : i32
    %convert_element_type3A_14 = arith.extui %eq3A_13 : i1 to i32
    %cond3A_15 = arith.constant 0 : i32
    %cond3A_16 = arith.cmpi ne, %convert_element_type3A_14, %cond3A_15 : i32
    scf.if %cond3A_16 {
      %dma_wait3A_82 = arith.constant 0 : i32
      %dma_wait3A_83 = tpu.memref_slice %arg6[%dma_wait3A_82] : memref<3136xf32, #tpu.memory_space<vmem>> -> memref<2960xf32, #tpu.memory_space<vmem>>
      %dma_wait3A_84 = tpu.memref_slice %arg2[%mul3A_0] : memref<50000xf32, #tpu.memory_space<hbm>> -> memref<2960xf32, #tpu.memory_space<hbm>>
      %dma_wait3A_85 = arith.constant 0 : i32
      %dma_wait3A_86 = tpu.memref_slice %arg6[%dma_wait3A_85] : memref<3136xf32, #tpu.memory_space<vmem>> -> memref<2960xf32, #tpu.memory_space<vmem>>
      %dma_wait3A_87 = tpu.memref_slice %arg2[%mul3A_0] : memref<50000xf32, #tpu.memory_space<hbm>> -> memref<2960xf32, #tpu.memory_space<hbm>>
      tpu.wait_dma2 semaphore(%arg14 : memref<!tpu.dma_semaphore, #tpu.memory_space<semaphore_mem>>) src(%dma_wait3A_87 : memref<2960xf32, #tpu.memory_space<hbm>>) dst(%dma_wait3A_86 : memref<2960xf32, #tpu.memory_space<vmem>>)
      %dma_wait3A_88 = arith.constant 0 : i32
      %dma_wait3A_89 = tpu.memref_slice %arg7[%dma_wait3A_88] : memref<3136xi32, #tpu.memory_space<vmem>> -> memref<2960xi32, #tpu.memory_space<vmem>>
      %dma_wait3A_90 = tpu.memref_slice %arg3[%mul3A_0] : memref<50000xi32, #tpu.memory_space<hbm>> -> memref<2960xi32, #tpu.memory_space<hbm>>
      %dma_wait3A_91 = arith.constant 0 : i32
      %dma_wait3A_92 = tpu.memref_slice %arg7[%dma_wait3A_91] : memref<3136xi32, #tpu.memory_space<vmem>> -> memref<2960xi32, #tpu.memory_space<vmem>>
      %dma_wait3A_93 = tpu.memref_slice %arg3[%mul3A_0] : memref<50000xi32, #tpu.memory_space<hbm>> -> memref<2960xi32, #tpu.memory_space<hbm>>
      tpu.wait_dma2 semaphore(%arg14 : memref<!tpu.dma_semaphore, #tpu.memory_space<semaphore_mem>>) src(%dma_wait3A_93 : memref<2960xi32, #tpu.memory_space<hbm>>) dst(%dma_wait3A_92 : memref<2960xi32, #tpu.memory_space<vmem>>)
    } else {
    }
    %broadcast_in_dim3A = arith.constant 1023 : i32
    %broadcast_in_dim3A_17 = vector.broadcast %broadcast_in_dim3A : i32 to vector<16xi32>
    %eq3A_18 = arith.constant 15 : i32
    %eq3A_19 = arith.cmpi eq, %arg1, %eq3A_18 : i32
    %convert_element_type3A_20 = arith.extui %eq3A_19 : i1 to i32
    %cond3A_21 = arith.constant 0 : i32
    %cond3A_22 = arith.cmpi ne, %convert_element_type3A_20, %cond3A_21 : i32
    scf.if %cond3A_22 {
      %scan3A_82 = arith.constant 0 : i32
      %scan3A_83 = arith.constant 0 : i32
      %scan3A_84 = arith.constant 11 : i32
      %scan3A_85 = arith.addi %scan3A_83, %scan3A_84 : i32
      %scan3A_86 = arith.constant 1 : i32
      scf.for %scan3A_88 = %scan3A_83 to %scan3A_85 step %scan3A_86  : i32 {
        %mul3A_89 = arith.constant 16 : i32
        %mul3A_90 = arith.muli %scan3A_88, %mul3A_89 : i32
        %add3A_91 = arith.constant 2960 : i32
        %add3A_92 = arith.addi %add3A_91, %mul3A_90 : i32
        %swap3A_93 = arith.index_cast %add3A_92 : i32 to index
        %swap3A_94 = tpu.vector_load %arg7[%swap3A_93] {strides = array<i32>} : memref<3136xi32, #tpu.memory_space<vmem>>, vector<16xi32>,
        tpu.vector_store %arg7[%swap3A_93], %broadcast_in_dim3A_17 {strides = array<i32>} : memref<3136xi32, #tpu.memory_space<vmem>>, vector<16xi32>,
      }
      %scan3A_87 = arith.constant 11 : i32
    } else {
    }
    tpu.wait_dma2 semaphore(%arg14 : memref<!tpu.dma_semaphore, #tpu.memory_space<semaphore_mem>>) src(%arg4 : memref<16384xf32, #tpu.memory_space<hbm>>) dst(%arg8 : memref<16384xf32, #tpu.memory_space<vmem>>)
    %iota3A = tpu.iota {dimensions = array<i32: 0>} : vector<16xi32>
    %mul3A_23 = arith.constant 1024 : i32
    %mul3A_24 = vector.broadcast %mul3A_23 : i32 to vector<16xi32>
    %mul3A_25 = arith.muli %iota3A, %mul3A_24 : vector<16xi32>
    %broadcast_in_dim3A_26 = arith.constant 0.000000e+00 : f32
    %broadcast_in_dim3A_27 = vector.broadcast %broadcast_in_dim3A_26 : f32 to vector<16xf32>
    %scan3A = arith.constant 0 : i32
    %scan3A_28 = arith.constant 98 : i32
    %scan3A_29 = arith.addi %scan3A, %scan3A_28 : i32
    %scan3A_30 = arith.constant 1 : i32
    %scan3A_31:2 = scf.for %scan3A_82 = %scan3A to %scan3A_29 step %scan3A_30 iter_args(%scan3A_83 = %broadcast_in_dim3A_27, %scan3A_84 = %broadcast_in_dim3A_27) -> (vector<16xf32>, vector<16xf32>)  : i32 {
      %mul3A_85 = arith.constant 2 : i32
      %mul3A_86 = arith.muli %scan3A_82, %mul3A_85 : i32
      %mul3A_87 = arith.constant 16 : i32
      %mul3A_88 = arith.muli %mul3A_86, %mul3A_87 : i32
      %add3A_89 = arith.constant 0 : i32
      %add3A_90 = arith.addi %mul3A_88, %add3A_89 : i32
      %get3A = arith.index_cast %add3A_90 : i32 to index
      %get3A_91 = tpu.vector_load %arg7[%get3A] {strides = array<i32>} : memref<3136xi32, #tpu.memory_space<vmem>>, vector<16xi32>,
      %mul3A_92 = arith.constant 2 : i32
      %mul3A_93 = arith.muli %scan3A_82, %mul3A_92 : i32
      %mul3A_94 = arith.constant 16 : i32
      %mul3A_95 = arith.muli %mul3A_93, %mul3A_94 : i32
      %add3A_96 = arith.constant 0 : i32
      %add3A_97 = arith.addi %mul3A_95, %add3A_96 : i32
      %get3A_98 = arith.index_cast %add3A_97 : i32 to index
      %get3A_99 = tpu.vector_load %arg6[%get3A_98] {strides = array<i32>} : memref<3136xf32, #tpu.memory_space<vmem>>, vector<16xf32>,
      %eq3A_100 = arith.constant 0 : i32
      %eq3A_101 = vector.broadcast %eq3A_100 : i32 to vector<16xi32>
      %eq3A_102 = arith.cmpi eq, %get3A_91, %eq3A_101 : vector<16xi32>
      %jit3A = arith.constant 0.000000e+00 : f32
      %broadcast_in_dim3A_103 = vector.broadcast %jit3A : f32 to vector<16xf32>
      %select_n3A = arith.select %eq3A_102, %get3A_99, %broadcast_in_dim3A_103 : vector<16xi1>, vector<16xf32>
      %add3A_104 = arith.addf %scan3A_83, %select_n3A : vector<16xf32>
      %jit3A_105 = arith.constant 1.000000e+00 : f32
      %jit3A_106 = arith.constant 0.000000e+00 : f32
      %broadcast_in_dim3A_107 = vector.broadcast %jit3A_105 : f32 to vector<16xf32>
      %broadcast_in_dim3A_108 = vector.broadcast %jit3A_106 : f32 to vector<16xf32>
      %select_n3A_109 = arith.select %eq3A_102, %broadcast_in_dim3A_107, %broadcast_in_dim3A_108 : vector<16xi1>, vector<16xf32>
      %add3A_110 = arith.addf %scan3A_84, %select_n3A_109 : vector<16xf32>
      %add3A_111 = arith.addi %mul3A_25, %get3A_91 : vector<16xi32>
      %gather3A = tpu.vector_load_idx %arg8[%add3A_111] : memref<16384xf32, #tpu.memory_space<vmem>>[vector<16xi32>], vector<16xf32>,
      %max3A = arith.maximumf %gather3A, %get3A_99 : vector<16xf32>
      tpu.vector_store_idx %arg8[%add3A_111], %max3A : memref<16384xf32, #tpu.memory_space<vmem>>[vector<16xi32>], vector<16xf32>,
      %mul3A_112 = arith.constant 2 : i32
      %mul3A_113 = arith.muli %scan3A_82, %mul3A_112 : i32
      %mul3A_114 = arith.constant 16 : i32
      %mul3A_115 = arith.muli %mul3A_113, %mul3A_114 : i32
      %add3A_116 = arith.constant 16 : i32
      %add3A_117 = arith.addi %mul3A_115, %add3A_116 : i32
      %get3A_118 = arith.index_cast %add3A_117 : i32 to index
      %get3A_119 = tpu.vector_load %arg7[%get3A_118] {strides = array<i32>} : memref<3136xi32, #tpu.memory_space<vmem>>, vector<16xi32>,
      %mul3A_120 = arith.constant 2 : i32
      %mul3A_121 = arith.muli %scan3A_82, %mul3A_120 : i32
      %mul3A_122 = arith.constant 16 : i32
      %mul3A_123 = arith.muli %mul3A_121, %mul3A_122 : i32
      %add3A_124 = arith.constant 16 : i32
      %add3A_125 = arith.addi %mul3A_123, %add3A_124 : i32
      %get3A_126 = arith.index_cast %add3A_125 : i32 to index
      %get3A_127 = tpu.vector_load %arg6[%get3A_126] {strides = array<i32>} : memref<3136xf32, #tpu.memory_space<vmem>>, vector<16xf32>,
      %eq3A_128 = arith.constant 0 : i32
      %eq3A_129 = vector.broadcast %eq3A_128 : i32 to vector<16xi32>
      %eq3A_130 = arith.cmpi eq, %get3A_119, %eq3A_129 : vector<16xi32>
      %jit3A_131 = arith.constant 0.000000e+00 : f32
      %broadcast_in_dim3A_132 = vector.broadcast %jit3A_131 : f32 to vector<16xf32>
      %select_n3A_133 = arith.select %eq3A_130, %get3A_127, %broadcast_in_dim3A_132 : vector<16xi1>, vector<16xf32>
      %add3A_134 = arith.addf %add3A_104, %select_n3A_133 : vector<16xf32>
      %jit3A_135 = arith.constant 1.000000e+00 : f32
      %jit3A_136 = arith.constant 0.000000e+00 : f32
      %broadcast_in_dim3A_137 = vector.broadcast %jit3A_135 : f32 to vector<16xf32>
      %broadcast_in_dim3A_138 = vector.broadcast %jit3A_136 : f32 to vector<16xf32>
      %select_n3A_139 = arith.select %eq3A_130, %broadcast_in_dim3A_137, %broadcast_in_dim3A_138 : vector<16xi1>, vector<16xf32>
      %add3A_140 = arith.addf %add3A_110, %select_n3A_139 : vector<16xf32>
      %add3A_141 = arith.addi %mul3A_25, %get3A_119 : vector<16xi32>
      %gather3A_142 = tpu.vector_load_idx %arg8[%add3A_141] : memref<16384xf32, #tpu.memory_space<vmem>>[vector<16xi32>], vector<16xf32>,
      %max3A_143 = arith.maximumf %gather3A_142, %get3A_127 : vector<16xf32>
      tpu.vector_store_idx %arg8[%add3A_141], %max3A_143 : memref<16384xf32, #tpu.memory_space<vmem>>[vector<16xi32>], vector<16xf32>,
      scf.yield %add3A_134, %add3A_140 : vector<16xf32>, vector<16xf32>
    }
    %scan3A_32 = arith.constant 98 : i32
    %scan3A_33 = arith.constant 0 : i32
    %scan3A_34 = arith.constant 0 : i32
    %scan3A_35 = arith.constant 64 : i32
    %scan3A_36 = arith.addi %scan3A_34, %scan3A_35 : i32
    %scan3A_37 = arith.constant 1 : i32
    scf.for %scan3A_82 = %scan3A_34 to %scan3A_36 step %scan3A_37  : i32 {
      %mul3A_83 = arith.constant 16 : i32
      %mul3A_84 = arith.muli %scan3A_82, %mul3A_83 : i32
      %get3A = arith.index_cast %mul3A_84 : i32 to index
      %get3A_85 = tpu.vector_load %arg8[%get3A] {strides = array<i32>} : memref<16384xf32, #tpu.memory_space<vmem>>, vector<16xf32>,
      %mul3A_86 = arith.constant 16 : i32
      %mul3A_87 = arith.muli %scan3A_82, %mul3A_86 : i32
      %add3A_88 = arith.constant 1024 : i32
      %add3A_89 = arith.addi %mul3A_87, %add3A_88 : i32
      %get3A_90 = arith.index_cast %add3A_89 : i32 to index
      %get3A_91 = tpu.vector_load %arg8[%get3A_90] {strides = array<i32>} : memref<16384xf32, #tpu.memory_space<vmem>>, vector<16xf32>,
      %max3A = arith.maximumf %get3A_85, %get3A_91 : vector<16xf32>
      %mul3A_92 = arith.constant 16 : i32
      %mul3A_93 = arith.muli %scan3A_82, %mul3A_92 : i32
      %add3A_94 = arith.constant 2048 : i32
      %add3A_95 = arith.addi %mul3A_93, %add3A_94 : i32
      %get3A_96 = arith.index_cast %add3A_95 : i32 to index
      %get3A_97 = tpu.vector_load %arg8[%get3A_96] {strides = array<i32>} : memref<16384xf32, #tpu.memory_space<vmem>>, vector<16xf32>,
      %max3A_98 = arith.maximumf %max3A, %get3A_97 : vector<16xf32>
      %mul3A_99 = arith.constant 16 : i32
      %mul3A_100 = arith.muli %scan3A_82, %mul3A_99 : i32
      %add3A_101 = arith.constant 3072 : i32
      %add3A_102 = arith.addi %mul3A_100, %add3A_101 : i32
      %get3A_103 = arith.index_cast %add3A_102 : i32 to index
      %get3A_104 = tpu.vector_load %arg8[%get3A_103] {strides = array<i32>} : memref<16384xf32, #tpu.memory_space<vmem>>, vector<16xf32>,
      %max3A_105 = arith.maximumf %max3A_98, %get3A_104 : vector<16xf32>
      %mul3A_106 = arith.constant 16 : i32
      %mul3A_107 = arith.muli %scan3A_82, %mul3A_106 : i32
      %add3A_108 = arith.constant 4096 : i32
      %add3A_109 = arith.addi %mul3A_107, %add3A_108 : i32
      %get3A_110 = arith.index_cast %add3A_109 : i32 to index
      %get3A_111 = tpu.vector_load %arg8[%get3A_110] {strides = array<i32>} : memref<16384xf32, #tpu.memory_space<vmem>>, vector<16xf32>,
      %max3A_112 = arith.maximumf %max3A_105, %get3A_111 : vector<16xf32>
      %mul3A_113 = arith.constant 16 : i32
      %mul3A_114 = arith.muli %scan3A_82, %mul3A_113 : i32
      %add3A_115 = arith.constant 5120 : i32
      %add3A_116 = arith.addi %mul3A_114, %add3A_115 : i32
      %get3A_117 = arith.index_cast %add3A_116 : i32 to index
      %get3A_118 = tpu.vector_load %arg8[%get3A_117] {strides = array<i32>} : memref<16384xf32, #tpu.memory_space<vmem>>, vector<16xf32>,
      %max3A_119 = arith.maximumf %max3A_112, %get3A_118 : vector<16xf32>
      %mul3A_120 = arith.constant 16 : i32
      %mul3A_121 = arith.muli %scan3A_82, %mul3A_120 : i32
      %add3A_122 = arith.constant 6144 : i32
      %add3A_123 = arith.addi %mul3A_121, %add3A_122 : i32
      %get3A_124 = arith.index_cast %add3A_123 : i32 to index
      %get3A_125 = tpu.vector_load %arg8[%get3A_124] {strides = array<i32>} : memref<16384xf32, #tpu.memory_space<vmem>>, vector<16xf32>,
      %max3A_126 = arith.maximumf %max3A_119, %get3A_125 : vector<16xf32>
      %mul3A_127 = arith.constant 16 : i32
      %mul3A_128 = arith.muli %scan3A_82, %mul3A_127 : i32
      %add3A_129 = arith.constant 7168 : i32
      %add3A_130 = arith.addi %mul3A_128, %add3A_129 : i32
      %get3A_131 = arith.index_cast %add3A_130 : i32 to index
      %get3A_132 = tpu.vector_load %arg8[%get3A_131] {strides = array<i32>} : memref<16384xf32, #tpu.memory_space<vmem>>, vector<16xf32>,
      %max3A_133 = arith.maximumf %max3A_126, %get3A_132 : vector<16xf32>
      %mul3A_134 = arith.constant 16 : i32
      %mul3A_135 = arith.muli %scan3A_82, %mul3A_134 : i32
      %add3A_136 = arith.constant 8192 : i32
      %add3A_137 = arith.addi %mul3A_135, %add3A_136 : i32
      %get3A_138 = arith.index_cast %add3A_137 : i32 to index
      %get3A_139 = tpu.vector_load %arg8[%get3A_138] {strides = array<i32>} : memref<16384xf32, #tpu.memory_space<vmem>>, vector<16xf32>,
      %max3A_140 = arith.maximumf %max3A_133, %get3A_139 : vector<16xf32>
      %mul3A_141 = arith.constant 16 : i32
      %mul3A_142 = arith.muli %scan3A_82, %mul3A_141 : i32
      %add3A_143 = arith.constant 9216 : i32
      %add3A_144 = arith.addi %mul3A_142, %add3A_143 : i32
      %get3A_145 = arith.index_cast %add3A_144 : i32 to index
      %get3A_146 = tpu.vector_load %arg8[%get3A_145] {strides = array<i32>} : memref<16384xf32, #tpu.memory_space<vmem>>, vector<16xf32>,
      %max3A_147 = arith.maximumf %max3A_140, %get3A_146 : vector<16xf32>
      %mul3A_148 = arith.constant 16 : i32
      %mul3A_149 = arith.muli %scan3A_82, %mul3A_148 : i32
      %add3A_150 = arith.constant 10240 : i32
      %add3A_151 = arith.addi %mul3A_149, %add3A_150 : i32
      %get3A_152 = arith.index_cast %add3A_151 : i32 to index
      %get3A_153 = tpu.vector_load %arg8[%get3A_152] {strides = array<i32>} : memref<16384xf32, #tpu.memory_space<vmem>>, vector<16xf32>,
      %max3A_154 = arith.maximumf %max3A_147, %get3A_153 : vector<16xf32>
      %mul3A_155 = arith.constant 16 : i32
      %mul3A_156 = arith.muli %scan3A_82, %mul3A_155 : i32
      %add3A_157 = arith.constant 11264 : i32
      %add3A_158 = arith.addi %mul3A_156, %add3A_157 : i32
      %get3A_159 = arith.index_cast %add3A_158 : i32 to index
      %get3A_160 = tpu.vector_load %arg8[%get3A_159] {strides = array<i32>} : memref<16384xf32, #tpu.memory_space<vmem>>, vector<16xf32>,
      %max3A_161 = arith.maximumf %max3A_154, %get3A_160 : vector<16xf32>
      %mul3A_162 = arith.constant 16 : i32
      %mul3A_163 = arith.muli %scan3A_82, %mul3A_162 : i32
      %add3A_164 = arith.constant 12288 : i32
      %add3A_165 = arith.addi %mul3A_163, %add3A_164 : i32
      %get3A_166 = arith.index_cast %add3A_165 : i32 to index
      %get3A_167 = tpu.vector_load %arg8[%get3A_166] {strides = array<i32>} : memref<16384xf32, #tpu.memory_space<vmem>>, vector<16xf32>,
      %max3A_168 = arith.maximumf %max3A_161, %get3A_167 : vector<16xf32>
      %mul3A_169 = arith.constant 16 : i32
      %mul3A_170 = arith.muli %scan3A_82, %mul3A_169 : i32
      %add3A_171 = arith.constant 13312 : i32
      %add3A_172 = arith.addi %mul3A_170, %add3A_171 : i32
      %get3A_173 = arith.index_cast %add3A_172 : i32 to index
      %get3A_174 = tpu.vector_load %arg8[%get3A_173] {strides = array<i32>} : memref<16384xf32, #tpu.memory_space<vmem>>, vector<16xf32>,
      %max3A_175 = arith.maximumf %max3A_168, %get3A_174 : vector<16xf32>
      %mul3A_176 = arith.constant 16 : i32
      %mul3A_177 = arith.muli %scan3A_82, %mul3A_176 : i32
      %add3A_178 = arith.constant 14336 : i32
      %add3A_179 = arith.addi %mul3A_177, %add3A_178 : i32
      %get3A_180 = arith.index_cast %add3A_179 : i32 to index
      %get3A_181 = tpu.vector_load %arg8[%get3A_180] {strides = array<i32>} : memref<16384xf32, #tpu.memory_space<vmem>>, vector<16xf32>,
      %max3A_182 = arith.maximumf %max3A_175, %get3A_181 : vector<16xf32>
      %mul3A_183 = arith.constant 16 : i32
      %mul3A_184 = arith.muli %scan3A_82, %mul3A_183 : i32
      %add3A_185 = arith.constant 15360 : i32
      %add3A_186 = arith.addi %mul3A_184, %add3A_185 : i32
      %get3A_187 = arith.index_cast %add3A_186 : i32 to index
      %get3A_188 = tpu.vector_load %arg8[%get3A_187] {strides = array<i32>} : memref<16384xf32, #tpu.memory_space<vmem>>, vector<16xf32>,
      %max3A_189 = arith.maximumf %max3A_182, %get3A_188 : vector<16xf32>
      %mul3A_190 = arith.constant 16 : i32
      %mul3A_191 = arith.muli %scan3A_82, %mul3A_190 : i32
      %swap3A_192 = arith.index_cast %mul3A_191 : i32 to index
      %swap3A_193 = tpu.vector_load %arg9[%swap3A_192] {strides = array<i32>} : memref<1024xf32, #tpu.memory_space<vmem>>, vector<16xf32>,
      tpu.vector_store %arg9[%swap3A_192], %max3A_189 {strides = array<i32>} : memref<1024xf32, #tpu.memory_space<vmem>>, vector<16xf32>,
    }
    %scan3A_38 = arith.constant 64 : i32
    %scan3A_39 = arith.constant 0 : i32
    %scan3A_40 = arith.constant 0 : i32
    %scan3A_41 = arith.constant 16 : i32
    %scan3A_42 = arith.addi %scan3A_40, %scan3A_41 : i32
    %scan3A_43 = arith.constant 1 : i32
    scf.for %scan3A_82 = %scan3A_40 to %scan3A_42 step %scan3A_43  : i32 {
      %mul3A_83 = arith.constant 64 : i32
      %mul3A_84 = arith.muli %scan3A_82, %mul3A_83 : i32
      %mul3A_85 = arith.constant 64 : i32
      %mul3A_86 = arith.muli %arg1, %mul3A_85 : i32
      %dma_start3A = tpu.memref_slice %arg9[%mul3A_84] : memref<1024xf32, #tpu.memory_space<vmem>> -> memref<64xf32, #tpu.memory_space<vmem>>
      %dma_start3A_87 = tpu.memref_slice %arg15[%scan3A_82, %mul3A_86] : memref<16x3072xf32, #tpu.memory_space<vmem_shared>> -> memref<1x64xf32, #tpu.memory_space<vmem_shared>>
      %dma_start3A_88 = tpu.memref_squeeze %dma_start3A_87 : memref<1x64xf32, #tpu.memory_space<vmem_shared>> -> memref<64xf32, #tpu.memory_space<vmem_shared>>
      %dma_start3A_89 = tpu.memref_slice %arg15[%scan3A_82, %mul3A_86] : memref<16x3072xf32, #tpu.memory_space<vmem_shared>> -> memref<1x64xf32, #tpu.memory_space<vmem_shared>>
      %dma_start3A_90 = tpu.memref_squeeze %dma_start3A_89 : memref<1x64xf32, #tpu.memory_space<vmem_shared>> -> memref<64xf32, #tpu.memory_space<vmem_shared>>
      %dma_start3A_91 = tpu.memref_slice %arg9[%mul3A_84] : memref<1024xf32, #tpu.memory_space<vmem>> -> memref<64xf32, #tpu.memory_space<vmem>>
      tpu.enqueue_dma source(%dma_start3A_91 : memref<64xf32, #tpu.memory_space<vmem>>) target(%dma_start3A_90 : memref<64xf32, #tpu.memory_space<vmem_shared>>) target_semaphore(%arg14 : memref<!tpu.dma_semaphore, #tpu.memory_space<semaphore_mem>>)
    }
    %scan3A_44 = arith.constant 16 : i32
    %mul3A_45 = arith.constant 0 : i32
    %mul3A_46 = arith.muli %arg1, %mul3A_45 : i32
    %dma_wait3A = arith.constant 0 : i32
    %dma_wait3A_47 = tpu.memref_slice %arg15[%mul3A_46, %dma_wait3A] : memref<16x3072xf32, #tpu.memory_space<vmem_shared>> -> memref<1x1024xf32, #tpu.memory_space<vmem_shared>>
    %dma_wait3A_48 = tpu.memref_squeeze %dma_wait3A_47 : memref<1x1024xf32, #tpu.memory_space<vmem_shared>> -> memref<1024xf32, #tpu.memory_space<vmem_shared>>
    %dma_wait3A_49 = arith.constant 0 : i32
    %dma_wait3A_50 = tpu.memref_slice %arg15[%mul3A_46, %dma_wait3A_49] : memref<16x3072xf32, #tpu.memory_space<vmem_shared>> -> memref<1x1024xf32, #tpu.memory_space<vmem_shared>>
    %dma_wait3A_51 = tpu.memref_squeeze %dma_wait3A_50 : memref<1x1024xf32, #tpu.memory_space<vmem_shared>> -> memref<1024xf32, #tpu.memory_space<vmem_shared>>
    tpu.wait_dma2 semaphore(%arg14 : memref<!tpu.dma_semaphore, #tpu.memory_space<semaphore_mem>>) src(%arg9 : memref<1024xf32, #tpu.memory_space<vmem>>) dst(%dma_wait3A_51 : memref<1024xf32, #tpu.memory_space<vmem_shared>>)
    %barrier3A = arith.constant 0 : index
    tpu.barrier barrier_id(%barrier3A)
    "tpu.region"() ({
      %run_scoped3A = tpu.sem_alloc : memref<!tpu.dma_semaphore, #tpu.memory_space<semaphore_mem>>
      %dma_start3A = arith.constant 0 : i32
      %dma_start3A_82 = tpu.memref_slice %arg15[%arg1, %dma_start3A] : memref<16x3072xf32, #tpu.memory_space<vmem_shared>> -> memref<1x1024xf32, #tpu.memory_space<vmem_shared>>
      %dma_start3A_83 = tpu.memref_squeeze %dma_start3A_82 : memref<1x1024xf32, #tpu.memory_space<vmem_shared>> -> memref<1024xf32, #tpu.memory_space<vmem_shared>>
      %dma_start3A_84 = arith.constant 0 : i32
      %dma_start3A_85 = tpu.memref_slice %arg15[%arg1, %dma_start3A_84] : memref<16x3072xf32, #tpu.memory_space<vmem_shared>> -> memref<1x1024xf32, #tpu.memory_space<vmem_shared>>
      %dma_start3A_86 = tpu.memref_squeeze %dma_start3A_85 : memref<1x1024xf32, #tpu.memory_space<vmem_shared>> -> memref<1024xf32, #tpu.memory_space<vmem_shared>>
      tpu.enqueue_dma source(%dma_start3A_86 : memref<1024xf32, #tpu.memory_space<vmem_shared>>) target(%arg10 : memref<1024xf32, #tpu.memory_space<vmem>>) target_semaphore(%run_scoped3A : memref<!tpu.dma_semaphore, #tpu.memory_space<semaphore_mem>>)
      %dma_wait3A_87 = arith.constant 0 : i32
      %dma_wait3A_88 = tpu.memref_slice %arg15[%arg1, %dma_wait3A_87] : memref<16x3072xf32, #tpu.memory_space<vmem_shared>> -> memref<1x1024xf32, #tpu.memory_space<vmem_shared>>
      %dma_wait3A_89 = tpu.memref_squeeze %dma_wait3A_88 : memref<1x1024xf32, #tpu.memory_space<vmem_shared>> -> memref<1024xf32, #tpu.memory_space<vmem_shared>>
      %dma_wait3A_90 = arith.constant 0 : i32
      %dma_wait3A_91 = tpu.memref_slice %arg15[%arg1, %dma_wait3A_90] : memref<16x3072xf32, #tpu.memory_space<vmem_shared>> -> memref<1x1024xf32, #tpu.memory_space<vmem_shared>>
      %dma_wait3A_92 = tpu.memref_squeeze %dma_wait3A_91 : memref<1x1024xf32, #tpu.memory_space<vmem_shared>> -> memref<1024xf32, #tpu.memory_space<vmem_shared>>
      tpu.wait_dma2 semaphore(%run_scoped3A : memref<!tpu.dma_semaphore, #tpu.memory_space<semaphore_mem>>) src(%dma_wait3A_92 : memref<1024xf32, #tpu.memory_space<vmem_shared>>) dst(%arg10 : memref<1024xf32, #tpu.memory_space<vmem>>)
      tpu.yield
    }) : () -> ()
    %broadcast_in_dim3A_52 = arith.constant 0.000000e+00 : f32
    %broadcast_in_dim3A_53 = vector.broadcast %broadcast_in_dim3A_52 : f32 to vector<16xf32>
    %broadcast_in_dim3A_54 = arith.constant 0.000000e+00 : f32
    %broadcast_in_dim3A_55 = vector.broadcast %broadcast_in_dim3A_54 : f32 to vector<16xf32>
    %broadcast_in_dim3A_56 = arith.constant 0.000000e+00 : f32
    %broadcast_in_dim3A_57 = vector.broadcast %broadcast_in_dim3A_56 : f32 to vector<16xf32>
    %scan3A_58 = arith.constant 0 : i32
    %scan3A_59 = arith.constant 4 : i32
    %scan3A_60 = arith.addi %scan3A_58, %scan3A_59 : i32
    %scan3A_61 = arith.constant 1 : i32
    %scan3A_62:3 = scf.for %scan3A_82 = %scan3A_58 to %scan3A_60 step %scan3A_61 iter_args(%scan3A_83 = %broadcast_in_dim3A_53, %scan3A_84 = %broadcast_in_dim3A_55, %scan3A_85 = %broadcast_in_dim3A_57) -> (vector<16xf32>, vector<16xf32>, vector<16xf32>)  : i32 {
      %mul3A_86 = arith.constant 16 : i32
      %mul3A_87 = arith.muli %scan3A_82, %mul3A_86 : i32
      %get3A = arith.index_cast %mul3A_87 : i32 to index
      %get3A_88 = tpu.vector_load %arg10[%get3A] {strides = array<i32>} : memref<1024xf32, #tpu.memory_space<vmem>>, vector<16xf32>,
      %mul3A_89 = arith.constant 16 : i32
      %mul3A_90 = arith.muli %scan3A_82, %mul3A_89 : i32
      %add3A_91 = arith.constant 64 : i32
      %add3A_92 = arith.addi %add3A_91, %mul3A_90 : i32
      %get3A_93 = arith.index_cast %add3A_92 : i32 to index
      %get3A_94 = tpu.vector_load %arg10[%get3A_93] {strides = array<i32>} : memref<1024xf32, #tpu.memory_space<vmem>>, vector<16xf32>,
      %max3A = arith.maximumf %get3A_88, %get3A_94 : vector<16xf32>
      %mul3A_95 = arith.constant 16 : i32
      %mul3A_96 = arith.muli %scan3A_82, %mul3A_95 : i32
      %add3A_97 = arith.constant 128 : i32
      %add3A_98 = arith.addi %add3A_97, %mul3A_96 : i32
      %get3A_99 = arith.index_cast %add3A_98 : i32 to index
      %get3A_100 = tpu.vector_load %arg10[%get3A_99] {strides = array<i32>} : memref<1024xf32, #tpu.memory_space<vmem>>, vector<16xf32>,
      %max3A_101 = arith.maximumf %max3A, %get3A_100 : vector<16xf32>
      %mul3A_102 = arith.constant 16 : i32
      %mul3A_103 = arith.muli %scan3A_82, %mul3A_102 : i32
      %add3A_104 = arith.constant 192 : i32
      %add3A_105 = arith.addi %add3A_104, %mul3A_103 : i32
      %get3A_106 = arith.index_cast %add3A_105 : i32 to index
      %get3A_107 = tpu.vector_load %arg10[%get3A_106] {strides = array<i32>} : memref<1024xf32, #tpu.memory_space<vmem>>, vector<16xf32>,
      %max3A_108 = arith.maximumf %max3A_101, %get3A_107 : vector<16xf32>
      %mul3A_109 = arith.constant 16 : i32
      %mul3A_110 = arith.muli %scan3A_82, %mul3A_109 : i32
      %add3A_111 = arith.constant 256 : i32
      %add3A_112 = arith.addi %add3A_111, %mul3A_110 : i32
      %get3A_113 = arith.index_cast %add3A_112 : i32 to index
      %get3A_114 = tpu.vector_load %arg10[%get3A_113] {strides = array<i32>} : memref<1024xf32, #tpu.memory_space<vmem>>, vector<16xf32>,
      %max3A_115 = arith.maximumf %max3A_108, %get3A_114 : vector<16xf32>
      %mul3A_116 = arith.constant 16 : i32
      %mul3A_117 = arith.muli %scan3A_82, %mul3A_116 : i32
      %add3A_118 = arith.constant 320 : i32
      %add3A_119 = arith.addi %add3A_118, %mul3A_117 : i32
      %get3A_120 = arith.index_cast %add3A_119 : i32 to index
      %get3A_121 = tpu.vector_load %arg10[%get3A_120] {strides = array<i32>} : memref<1024xf32, #tpu.memory_space<vmem>>, vector<16xf32>,
      %max3A_122 = arith.maximumf %max3A_115, %get3A_121 : vector<16xf32>
      %mul3A_123 = arith.constant 16 : i32
      %mul3A_124 = arith.muli %scan3A_82, %mul3A_123 : i32
      %add3A_125 = arith.constant 384 : i32
      %add3A_126 = arith.addi %add3A_125, %mul3A_124 : i32
      %get3A_127 = arith.index_cast %add3A_126 : i32 to index
      %get3A_128 = tpu.vector_load %arg10[%get3A_127] {strides = array<i32>} : memref<1024xf32, #tpu.memory_space<vmem>>, vector<16xf32>,
      %max3A_129 = arith.maximumf %max3A_122, %get3A_128 : vector<16xf32>
      %mul3A_130 = arith.constant 16 : i32
      %mul3A_131 = arith.muli %scan3A_82, %mul3A_130 : i32
      %add3A_132 = arith.constant 448 : i32
      %add3A_133 = arith.addi %add3A_132, %mul3A_131 : i32
      %get3A_134 = arith.index_cast %add3A_133 : i32 to index
      %get3A_135 = tpu.vector_load %arg10[%get3A_134] {strides = array<i32>} : memref<1024xf32, #tpu.memory_space<vmem>>, vector<16xf32>,
      %max3A_136 = arith.maximumf %max3A_129, %get3A_135 : vector<16xf32>
      %mul3A_137 = arith.constant 16 : i32
      %mul3A_138 = arith.muli %scan3A_82, %mul3A_137 : i32
      %add3A_139 = arith.constant 512 : i32
      %add3A_140 = arith.addi %add3A_139, %mul3A_138 : i32
      %get3A_141 = arith.index_cast %add3A_140 : i32 to index
      %get3A_142 = tpu.vector_load %arg10[%get3A_141] {strides = array<i32>} : memref<1024xf32, #tpu.memory_space<vmem>>, vector<16xf32>,
      %max3A_143 = arith.maximumf %max3A_136, %get3A_142 : vector<16xf32>
      %mul3A_144 = arith.constant 16 : i32
      %mul3A_145 = arith.muli %scan3A_82, %mul3A_144 : i32
      %add3A_146 = arith.constant 576 : i32
      %add3A_147 = arith.addi %add3A_146, %mul3A_145 : i32
      %get3A_148 = arith.index_cast %add3A_147 : i32 to index
      %get3A_149 = tpu.vector_load %arg10[%get3A_148] {strides = array<i32>} : memref<1024xf32, #tpu.memory_space<vmem>>, vector<16xf32>,
      %max3A_150 = arith.maximumf %max3A_143, %get3A_149 : vector<16xf32>
      %mul3A_151 = arith.constant 16 : i32
      %mul3A_152 = arith.muli %scan3A_82, %mul3A_151 : i32
      %add3A_153 = arith.constant 640 : i32
      %add3A_154 = arith.addi %add3A_153, %mul3A_152 : i32
      %get3A_155 = arith.index_cast %add3A_154 : i32 to index
      %get3A_156 = tpu.vector_load %arg10[%get3A_155] {strides = array<i32>} : memref<1024xf32, #tpu.memory_space<vmem>>, vector<16xf32>,
      %max3A_157 = arith.maximumf %max3A_150, %get3A_156 : vector<16xf32>
      %mul3A_158 = arith.constant 16 : i32
      %mul3A_159 = arith.muli %scan3A_82, %mul3A_158 : i32
      %add3A_160 = arith.constant 704 : i32
      %add3A_161 = arith.addi %add3A_160, %mul3A_159 : i32
      %get3A_162 = arith.index_cast %add3A_161 : i32 to index
      %get3A_163 = tpu.vector_load %arg10[%get3A_162] {strides = array<i32>} : memref<1024xf32, #tpu.memory_space<vmem>>, vector<16xf32>,
      %max3A_164 = arith.maximumf %max3A_157, %get3A_163 : vector<16xf32>
      %mul3A_165 = arith.constant 16 : i32
      %mul3A_166 = arith.muli %scan3A_82, %mul3A_165 : i32
      %add3A_167 = arith.constant 768 : i32
      %add3A_168 = arith.addi %add3A_167, %mul3A_166 : i32
      %get3A_169 = arith.index_cast %add3A_168 : i32 to index
      %get3A_170 = tpu.vector_load %arg10[%get3A_169] {strides = array<i32>} : memref<1024xf32, #tpu.memory_space<vmem>>, vector<16xf32>,
      %max3A_171 = arith.maximumf %max3A_164, %get3A_170 : vector<16xf32>
      %mul3A_172 = arith.constant 16 : i32
      %mul3A_173 = arith.muli %scan3A_82, %mul3A_172 : i32
      %add3A_174 = arith.constant 832 : i32
      %add3A_175 = arith.addi %add3A_174, %mul3A_173 : i32
      %get3A_176 = arith.index_cast %add3A_175 : i32 to index
      %get3A_177 = tpu.vector_load %arg10[%get3A_176] {strides = array<i32>} : memref<1024xf32, #tpu.memory_space<vmem>>, vector<16xf32>,
      %max3A_178 = arith.maximumf %max3A_171, %get3A_177 : vector<16xf32>
      %mul3A_179 = arith.constant 16 : i32
      %mul3A_180 = arith.muli %scan3A_82, %mul3A_179 : i32
      %add3A_181 = arith.constant 896 : i32
      %add3A_182 = arith.addi %add3A_181, %mul3A_180 : i32
      %get3A_183 = arith.index_cast %add3A_182 : i32 to index
      %get3A_184 = tpu.vector_load %arg10[%get3A_183] {strides = array<i32>} : memref<1024xf32, #tpu.memory_space<vmem>>, vector<16xf32>,
      %max3A_185 = arith.maximumf %max3A_178, %get3A_184 : vector<16xf32>
      %mul3A_186 = arith.constant 16 : i32
      %mul3A_187 = arith.muli %scan3A_82, %mul3A_186 : i32
      %add3A_188 = arith.constant 960 : i32
      %add3A_189 = arith.addi %add3A_188, %mul3A_187 : i32
      %get3A_190 = arith.index_cast %add3A_189 : i32 to index
      %get3A_191 = tpu.vector_load %arg10[%get3A_190] {strides = array<i32>} : memref<1024xf32, #tpu.memory_space<vmem>>, vector<16xf32>,
      %max3A_192 = arith.maximumf %max3A_185, %get3A_191 : vector<16xf32>
      %iota3A_193 = tpu.iota {dimensions = array<i32: 0>} : vector<16xi32>
      %mul3A_194 = arith.constant 64 : i32
      %mul3A_195 = arith.muli %arg1, %mul3A_194 : i32
      %mul3A_196 = arith.constant 16 : i32
      %mul3A_197 = arith.muli %scan3A_82, %mul3A_196 : i32
      %add3A_198 = arith.addi %mul3A_195, %mul3A_197 : i32
      %add3A_199 = vector.broadcast %add3A_198 : i32 to vector<16xi32>
      %add3A_200 = arith.addi %iota3A_193, %add3A_199 : vector<16xi32>
      %ge3A = arith.constant 1 : i32
      %ge3A_201 = vector.broadcast %ge3A : i32 to vector<16xi32>
      %ge3A_202 = arith.cmpi sge, %add3A_200, %ge3A_201 : vector<16xi32>
      %lt3A_203 = arith.constant 1000 : i32
      %lt3A_204 = vector.broadcast %lt3A_203 : i32 to vector<16xi32>
      %lt3A_205 = arith.cmpi slt, %add3A_200, %lt3A_204 : vector<16xi32>
      %and3A = arith.andi %ge3A_202, %lt3A_205 : vector<16xi1>
      %ge3A_206 = arith.constant 0.000000e+00 : f32
      %ge3A_207 = vector.broadcast %ge3A_206 : f32 to vector<16xf32>
      %ge3A_208 = arith.cmpf oge, %max3A_192, %ge3A_207 : vector<16xf32>
      %and3A_209 = arith.andi %and3A, %ge3A_208 : vector<16xi1>
      %jit3A = arith.constant 1.000000e+00 : f32
      %jit3A_210 = arith.constant 0.000000e+00 : f32
      %broadcast_in_dim3A_211 = vector.broadcast %jit3A : f32 to vector<16xf32>
      %broadcast_in_dim3A_212 = vector.broadcast %jit3A_210 : f32 to vector<16xf32>
      %select_n3A = arith.select %and3A_209, %broadcast_in_dim3A_211, %broadcast_in_dim3A_212 : vector<16xi1>, vector<16xf32>
      %add3A_213 = arith.addf %scan3A_84, %select_n3A : vector<16xf32>
      %gt3A = arith.constant 0.000000e+00 : f32
      %gt3A_214 = vector.broadcast %gt3A : f32 to vector<16xf32>
      %gt3A_215 = arith.cmpf ogt, %max3A_192, %gt3A_214 : vector<16xf32>
      %jit3A_216 = arith.constant 0.000000e+00 : f32
      %broadcast_in_dim3A_217 = vector.broadcast %jit3A_216 : f32 to vector<16xf32>
      %select_n3A_218 = arith.select %gt3A_215, %max3A_192, %broadcast_in_dim3A_217 : vector<16xi1>, vector<16xf32>
      %sub3A = arith.constant 1.000000e+00 : f32
      %sub3A_219 = vector.broadcast %sub3A : f32 to vector<16xf32>
      %sub3A_220 = arith.subf %sub3A_219, %select_n3A_218 : vector<16xf32>
      %jit3A_221 = arith.constant 0.000000e+00 : f32
      %broadcast_in_dim3A_222 = vector.broadcast %jit3A_221 : f32 to vector<16xf32>
      %select_n3A_223 = arith.select %and3A_209, %sub3A_220, %broadcast_in_dim3A_222 : vector<16xi1>, vector<16xf32>
      %add3A_224 = arith.addf %scan3A_83, %select_n3A_223 : vector<16xf32>
      %eq3A_225 = arith.constant 0.000000e+00 : f32
      %eq3A_226 = vector.broadcast %eq3A_225 : f32 to vector<16xf32>
      %eq3A_227 = arith.cmpf oeq, %max3A_192, %eq3A_226 : vector<16xf32>
      %and3A_228 = arith.andi %and3A_209, %eq3A_227 : vector<16xi1>
      %jit3A_229 = arith.constant 1.000000e+00 : f32
      %jit3A_230 = arith.constant 0.000000e+00 : f32
      %broadcast_in_dim3A_231 = vector.broadcast %jit3A_229 : f32 to vector<16xf32>
      %broadcast_in_dim3A_232 = vector.broadcast %jit3A_230 : f32 to vector<16xf32>
      %select_n3A_233 = arith.select %and3A_228, %broadcast_in_dim3A_231, %broadcast_in_dim3A_232 : vector<16xi1>, vector<16xf32>
      %add3A_234 = arith.addf %scan3A_85, %select_n3A_233 : vector<16xf32>
      scf.yield %add3A_224, %add3A_213, %add3A_234 : vector<16xf32>, vector<16xf32>, vector<16xf32>
    }
    %scan3A_63 = arith.constant 4 : i32
    %swap3A = arith.constant 0 : index
    %swap3A_64 = tpu.vector_load %arg11[%swap3A] {strides = array<i32>} : memref<128xf32, #tpu.memory_space<vmem>>, vector<16xf32>,
    tpu.vector_store %arg11[%swap3A], %scan3A_62#0 {strides = array<i32>} : memref<128xf32, #tpu.memory_space<vmem>>, vector<16xf32>,
    %swap3A_65 = arith.constant 16 : index
    %swap3A_66 = tpu.vector_load %arg11[%swap3A_65] {strides = array<i32>} : memref<128xf32, #tpu.memory_space<vmem>>, vector<16xf32>,
    tpu.vector_store %arg11[%swap3A_65], %scan3A_62#1 {strides = array<i32>} : memref<128xf32, #tpu.memory_space<vmem>>, vector<16xf32>,
    %swap3A_67 = arith.constant 32 : index
    %swap3A_68 = tpu.vector_load %arg11[%swap3A_67] {strides = array<i32>} : memref<128xf32, #tpu.memory_space<vmem>>, vector<16xf32>,
    tpu.vector_store %arg11[%swap3A_67], %scan3A_62#2 {strides = array<i32>} : memref<128xf32, #tpu.memory_space<vmem>>, vector<16xf32>,
    %swap3A_69 = arith.constant 48 : index
    %swap3A_70 = tpu.vector_load %arg11[%swap3A_69] {strides = array<i32>} : memref<128xf32, #tpu.memory_space<vmem>>, vector<16xf32>,
    tpu.vector_store %arg11[%swap3A_69], %scan3A_31#0 {strides = array<i32>} : memref<128xf32, #tpu.memory_space<vmem>>, vector<16xf32>,
    %swap3A_71 = arith.constant 64 : index
    %swap3A_72 = tpu.vector_load %arg11[%swap3A_71] {strides = array<i32>} : memref<128xf32, #tpu.memory_space<vmem>>, vector<16xf32>,
    tpu.vector_store %arg11[%swap3A_71], %scan3A_31#1 {strides = array<i32>} : memref<128xf32, #tpu.memory_space<vmem>>, vector<16xf32>,
    %mul3A_73 = arith.constant 128 : i32
    %mul3A_74 = arith.muli %arg1, %mul3A_73 : i32
    %add3A = arith.constant 1024 : i32
    %add3A_75 = arith.addi %add3A, %mul3A_74 : i32
    "tpu.region"() ({
      %run_scoped3A = tpu.sem_alloc : memref<!tpu.dma_semaphore, #tpu.memory_space<semaphore_mem>>
      %dma_start3A = tpu.memref_slice %arg15[%mul3A_46, %add3A_75] : memref<16x3072xf32, #tpu.memory_space<vmem_shared>> -> memref<1x128xf32, #tpu.memory_space<vmem_shared>>
      %dma_start3A_82 = tpu.memref_squeeze %dma_start3A : memref<1x128xf32, #tpu.memory_space<vmem_shared>> -> memref<128xf32, #tpu.memory_space<vmem_shared>>
      %dma_start3A_83 = tpu.memref_slice %arg15[%mul3A_46, %add3A_75] : memref<16x3072xf32, #tpu.memory_space<vmem_shared>> -> memref<1x128xf32, #tpu.memory_space<vmem_shared>>
      %dma_start3A_84 = tpu.memref_squeeze %dma_start3A_83 : memref<1x128xf32, #tpu.memory_space<vmem_shared>> -> memref<128xf32, #tpu.memory_space<vmem_shared>>
      tpu.enqueue_dma source(%arg11 : memref<128xf32, #tpu.memory_space<vmem>>) target(%dma_start3A_84 : memref<128xf32, #tpu.memory_space<vmem_shared>>) target_semaphore(%run_scoped3A : memref<!tpu.dma_semaphore, #tpu.memory_space<semaphore_mem>>)
      %dma_wait3A_85 = tpu.memref_slice %arg15[%mul3A_46, %add3A_75] : memref<16x3072xf32, #tpu.memory_space<vmem_shared>> -> memref<1x128xf32, #tpu.memory_space<vmem_shared>>
      %dma_wait3A_86 = tpu.memref_squeeze %dma_wait3A_85 : memref<1x128xf32, #tpu.memory_space<vmem_shared>> -> memref<128xf32, #tpu.memory_space<vmem_shared>>
      %dma_wait3A_87 = tpu.memref_slice %arg15[%mul3A_46, %add3A_75] : memref<16x3072xf32, #tpu.memory_space<vmem_shared>> -> memref<1x128xf32, #tpu.memory_space<vmem_shared>>
      %dma_wait3A_88 = tpu.memref_squeeze %dma_wait3A_87 : memref<1x128xf32, #tpu.memory_space<vmem_shared>> -> memref<128xf32, #tpu.memory_space<vmem_shared>>
      tpu.wait_dma2 semaphore(%run_scoped3A : memref<!tpu.dma_semaphore, #tpu.memory_space<semaphore_mem>>) src(%arg11 : memref<128xf32, #tpu.memory_space<vmem>>) dst(%dma_wait3A_88 : memref<128xf32, #tpu.memory_space<vmem_shared>>)
      tpu.yield
    }) : () -> ()
    %barrier3A_76 = arith.constant 0 : index
    tpu.barrier barrier_id(%barrier3A_76)
    %eq3A_77 = arith.constant 0 : i32
    %eq3A_78 = arith.cmpi eq, %arg1, %eq3A_77 : i32
    %convert_element_type3A_79 = arith.extui %eq3A_78 : i1 to i32
    %cond3A_80 = arith.constant 0 : i32
    %cond3A_81 = arith.cmpi ne, %convert_element_type3A_79, %cond3A_80 : i32
    scf.if %cond3A_81 {
      "tpu.region"() ({
        %run_scoped3A = tpu.sem_alloc : memref<!tpu.dma_semaphore, #tpu.memory_space<semaphore_mem>>
        %dma_start3A = arith.constant 1024 : i32
        %dma_start3A_135 = tpu.memref_slice %arg15[%mul3A_46, %dma_start3A] : memref<16x3072xf32, #tpu.memory_space<vmem_shared>> -> memref<1x2048xf32, #tpu.memory_space<vmem_shared>>
        %dma_start3A_136 = tpu.memref_squeeze %dma_start3A_135 : memref<1x2048xf32, #tpu.memory_space<vmem_shared>> -> memref<2048xf32, #tpu.memory_space<vmem_shared>>
        %dma_start3A_137 = arith.constant 1024 : i32
        %dma_start3A_138 = tpu.memref_slice %arg15[%mul3A_46, %dma_start3A_137] : memref<16x3072xf32, #tpu.memory_space<vmem_shared>> -> memref<1x2048xf32, #tpu.memory_space<vmem_shared>>
        %dma_start3A_139 = tpu.memref_squeeze %dma_start3A_138 : memref<1x2048xf32, #tpu.memory_space<vmem_shared>> -> memref<2048xf32, #tpu.memory_space<vmem_shared>>
        tpu.enqueue_dma source(%dma_start3A_139 : memref<2048xf32, #tpu.memory_space<vmem_shared>>) target(%arg12 : memref<2048xf32, #tpu.memory_space<vmem>>) target_semaphore(%run_scoped3A : memref<!tpu.dma_semaphore, #tpu.memory_space<semaphore_mem>>)
        %dma_wait3A_140 = arith.constant 1024 : i32
        %dma_wait3A_141 = tpu.memref_slice %arg15[%mul3A_46, %dma_wait3A_140] : memref<16x3072xf32, #tpu.memory_space<vmem_shared>> -> memref<1x2048xf32, #tpu.memory_space<vmem_shared>>
        %dma_wait3A_142 = tpu.memref_squeeze %dma_wait3A_141 : memref<1x2048xf32, #tpu.memory_space<vmem_shared>> -> memref<2048xf32, #tpu.memory_space<vmem_shared>>
        %dma_wait3A_143 = arith.constant 1024 : i32
        %dma_wait3A_144 = tpu.memref_slice %arg15[%mul3A_46, %dma_wait3A_143] : memref<16x3072xf32, #tpu.memory_space<vmem_shared>> -> memref<1x2048xf32, #tpu.memory_space<vmem_shared>>
        %dma_wait3A_145 = tpu.memref_squeeze %dma_wait3A_144 : memref<1x2048xf32, #tpu.memory_space<vmem_shared>> -> memref<2048xf32, #tpu.memory_space<vmem_shared>>
        tpu.wait_dma2 semaphore(%run_scoped3A : memref<!tpu.dma_semaphore, #tpu.memory_space<semaphore_mem>>) src(%dma_wait3A_145 : memref<2048xf32, #tpu.memory_space<vmem_shared>>) dst(%arg12 : memref<2048xf32, #tpu.memory_space<vmem>>)
        tpu.yield
      }) : () -> ()
      %scan3A_82 = arith.constant 0 : i32
      %scan3A_83 = arith.constant 16 : i32
      %scan3A_84 = arith.addi %scan3A_82, %scan3A_83 : i32
      %scan3A_85 = arith.constant 1 : i32
      %scan3A_86:5 = scf.for %scan3A_135 = %scan3A_82 to %scan3A_84 step %scan3A_85 iter_args(%scan3A_136 = %broadcast_in_dim3A_27, %scan3A_137 = %broadcast_in_dim3A_27, %scan3A_138 = %broadcast_in_dim3A_27, %scan3A_139 = %broadcast_in_dim3A_27, %scan3A_140 = %broadcast_in_dim3A_27) -> (vector<16xf32>, vector<16xf32>, vector<16xf32>, vector<16xf32>, vector<16xf32>)  : i32 {
        %mul3A_141 = arith.constant 128 : i32
        %mul3A_142 = arith.muli %scan3A_135, %mul3A_141 : i32
        %get3A_143 = arith.index_cast %mul3A_142 : i32 to index
        %get3A_144 = tpu.vector_load %arg12[%get3A_143] {strides = array<i32>} : memref<2048xf32, #tpu.memory_space<vmem>>, vector<16xf32>,
        %add3A_145 = arith.addf %scan3A_136, %get3A_144 : vector<16xf32>
        %mul3A_146 = arith.constant 128 : i32
        %mul3A_147 = arith.muli %scan3A_135, %mul3A_146 : i32
        %add3A_148 = arith.constant 16 : i32
        %add3A_149 = arith.addi %mul3A_147, %add3A_148 : i32
        %get3A_150 = arith.index_cast %add3A_149 : i32 to index
        %get3A_151 = tpu.vector_load %arg12[%get3A_150] {strides = array<i32>} : memref<2048xf32, #tpu.memory_space<vmem>>, vector<16xf32>,
        %add3A_152 = arith.addf %scan3A_137, %get3A_151 : vector<16xf32>
        %mul3A_153 = arith.constant 128 : i32
        %mul3A_154 = arith.muli %scan3A_135, %mul3A_153 : i32
        %add3A_155 = arith.constant 32 : i32
        %add3A_156 = arith.addi %mul3A_154, %add3A_155 : i32
        %get3A_157 = arith.index_cast %add3A_156 : i32 to index
        %get3A_158 = tpu.vector_load %arg12[%get3A_157] {strides = array<i32>} : memref<2048xf32, #tpu.memory_space<vmem>>, vector<16xf32>,
        %add3A_159 = arith.addf %scan3A_138, %get3A_158 : vector<16xf32>
        %mul3A_160 = arith.constant 128 : i32
        %mul3A_161 = arith.muli %scan3A_135, %mul3A_160 : i32
        %add3A_162 = arith.constant 48 : i32
        %add3A_163 = arith.addi %mul3A_161, %add3A_162 : i32
        %get3A_164 = arith.index_cast %add3A_163 : i32 to index
        %get3A_165 = tpu.vector_load %arg12[%get3A_164] {strides = array<i32>} : memref<2048xf32, #tpu.memory_space<vmem>>, vector<16xf32>,
        %add3A_166 = arith.addf %scan3A_139, %get3A_165 : vector<16xf32>
        %mul3A_167 = arith.constant 128 : i32
        %mul3A_168 = arith.muli %scan3A_135, %mul3A_167 : i32
        %add3A_169 = arith.constant 64 : i32
        %add3A_170 = arith.addi %mul3A_168, %add3A_169 : i32
        %get3A_171 = arith.index_cast %add3A_170 : i32 to index
        %get3A_172 = tpu.vector_load %arg12[%get3A_171] {strides = array<i32>} : memref<2048xf32, #tpu.memory_space<vmem>>, vector<16xf32>,
        %add3A_173 = arith.addf %scan3A_140, %get3A_172 : vector<16xf32>
        scf.yield %add3A_145, %add3A_152, %add3A_159, %add3A_166, %add3A_173 : vector<16xf32>, vector<16xf32>, vector<16xf32>, vector<16xf32>, vector<16xf32>
      }
      %scan3A_87 = arith.constant 16 : i32
      %get3A = arith.constant 0 : index
      %get3A_88 = tpu.vector_load %arg6[%get3A] {strides = array<i32>} : memref<3136xf32, #tpu.memory_space<vmem>>, vector<16xf32>,
      %slice3A = vector.extract_strided_slice %get3A_88 {offsets = [0], sizes = [1], strides = [1]} : vector<16xf32> to vector<1xf32>
      %squeeze3A = vector.extract %slice3A[0] : f32 from vector<1xf32>
      %broadcast_in_dim3A_89 = arith.constant 1.000000e+00 : f32
      %broadcast_in_dim3A_90 = vector.broadcast %broadcast_in_dim3A_89 : f32 to vector<16xf32>
      %reduce_sum3A = arith.constant true
      %reduce_sum3A_91 = vector.broadcast %reduce_sum3A : i1 to vector<16xi1>
      %reduce_sum3A_92 = tpu.scan <sum>, %scan3A_86#0 masked %reduce_sum3A_91 : vector<16xf32>, vector<16xi1> -> vector<16xf32>
      %reduce_sum3A_93 = vector.extract %reduce_sum3A_92[15] : f32 from vector<16xf32>
      %mul3A_94 = vector.broadcast %reduce_sum3A_93 : f32 to vector<16xf32>
      %mul3A_95 = arith.mulf %broadcast_in_dim3A_90, %mul3A_94 : vector<16xf32>
      %reduce_sum3A_96 = arith.constant true
      %reduce_sum3A_97 = vector.broadcast %reduce_sum3A_96 : i1 to vector<16xi1>
      %reduce_sum3A_98 = tpu.scan <sum>, %scan3A_86#2 masked %reduce_sum3A_97 : vector<16xf32>, vector<16xi1> -> vector<16xf32>
      %reduce_sum3A_99 = vector.extract %reduce_sum3A_98[15] : f32 from vector<16xf32>
      %mul3A_100 = vector.broadcast %reduce_sum3A_99 : f32 to vector<16xf32>
      %mul3A_101 = arith.mulf %broadcast_in_dim3A_90, %mul3A_100 : vector<16xf32>
      %mul3A_102 = vector.broadcast %squeeze3A : f32 to vector<16xf32>
      %mul3A_103 = arith.mulf %broadcast_in_dim3A_90, %mul3A_102 : vector<16xf32>
      %mul3A_104 = arith.mulf %mul3A_101, %mul3A_103 : vector<16xf32>
      %sub3A = arith.subf %mul3A_95, %mul3A_104 : vector<16xf32>
      %reduce_sum3A_105 = arith.constant true
      %reduce_sum3A_106 = vector.broadcast %reduce_sum3A_105 : i1 to vector<16xi1>
      %reduce_sum3A_107 = tpu.scan <sum>, %scan3A_86#1 masked %reduce_sum3A_106 : vector<16xf32>, vector<16xi1> -> vector<16xf32>
      %reduce_sum3A_108 = vector.extract %reduce_sum3A_107[15] : f32 from vector<16xf32>
      %mul3A_109 = vector.broadcast %reduce_sum3A_108 : f32 to vector<16xf32>
      %mul3A_110 = arith.mulf %broadcast_in_dim3A_90, %mul3A_109 : vector<16xf32>
      %reduce_sum3A_111 = arith.constant true
      %reduce_sum3A_112 = vector.broadcast %reduce_sum3A_111 : i1 to vector<16xi1>
      %reduce_sum3A_113 = tpu.scan <sum>, %scan3A_86#3 masked %reduce_sum3A_112 : vector<16xf32>, vector<16xi1> -> vector<16xf32>
      %reduce_sum3A_114 = vector.extract %reduce_sum3A_113[15] : f32 from vector<16xf32>
      %mul3A_115 = vector.broadcast %reduce_sum3A_114 : f32 to vector<16xf32>
      %mul3A_116 = arith.mulf %broadcast_in_dim3A_90, %mul3A_115 : vector<16xf32>
      %reduce_sum3A_117 = arith.constant true
      %reduce_sum3A_118 = vector.broadcast %reduce_sum3A_117 : i1 to vector<16xi1>
      %reduce_sum3A_119 = tpu.scan <sum>, %scan3A_86#4 masked %reduce_sum3A_118 : vector<16xf32>, vector<16xi1> -> vector<16xf32>
      %reduce_sum3A_120 = vector.extract %reduce_sum3A_119[15] : f32 from vector<16xf32>
      %mul3A_121 = vector.broadcast %reduce_sum3A_120 : f32 to vector<16xf32>
      %mul3A_122 = arith.mulf %broadcast_in_dim3A_90, %mul3A_121 : vector<16xf32>
      %div3A = arith.divf %sub3A, %mul3A_110 : vector<16xf32>
      %max3A = arith.constant 1.000000e+00 : f32
      %max3A_123 = vector.broadcast %max3A : f32 to vector<16xf32>
      %max3A_124 = arith.maximumf %mul3A_122, %max3A_123 : vector<16xf32>
      %div3A_125 = arith.divf %mul3A_116, %max3A_124 : vector<16xf32>
      %mul3A_126 = arith.constant 1.000000e-01 : f32
      %mul3A_127 = vector.broadcast %mul3A_126 : f32 to vector<16xf32>
      %mul3A_128 = arith.mulf %mul3A_127, %div3A_125 : vector<16xf32>
      %add3A_129 = arith.addf %div3A, %mul3A_128 : vector<16xf32>
      %gt3A = arith.constant 0.000000e+00 : f32
      %gt3A_130 = vector.broadcast %gt3A : f32 to vector<16xf32>
      %gt3A_131 = arith.cmpf ogt, %mul3A_122, %gt3A_130 : vector<16xf32>
      %jit3A = arith.constant 0.000000e+00 : f32
      %broadcast_in_dim3A_132 = vector.broadcast %jit3A : f32 to vector<16xf32>
      %select_n3A = arith.select %gt3A_131, %add3A_129, %broadcast_in_dim3A_132 : vector<16xi1>, vector<16xf32>
      %swap3A_133 = arith.constant 0 : index
      %swap3A_134 = tpu.vector_load %arg13[%swap3A_133] {strides = array<i32>} : memref<16xf32, #tpu.memory_space<vmem>>, vector<16xf32>,
      tpu.vector_store %arg13[%swap3A_133], %select_n3A {strides = array<i32>} : memref<16xf32, #tpu.memory_space<vmem>>, vector<16xf32>,
      "tpu.region"() ({
        %run_scoped3A = tpu.sem_alloc : memref<!tpu.dma_semaphore, #tpu.memory_space<semaphore_mem>>
        tpu.enqueue_dma source(%arg13 : memref<16xf32, #tpu.memory_space<vmem>>) target(%arg5 : memref<16xf32, #tpu.memory_space<hbm>>) target_semaphore(%run_scoped3A : memref<!tpu.dma_semaphore, #tpu.memory_space<semaphore_mem>>)
        tpu.wait_dma2 semaphore(%run_scoped3A : memref<!tpu.dma_semaphore, #tpu.memory_space<semaphore_mem>>) src(%arg13 : memref<16xf32, #tpu.memory_space<vmem>>) dst(%arg5 : memref<16xf32, #tpu.memory_space<hbm>>)
        tpu.yield
      }) : () -> ()
    } else {
    }
    return
  }
}

</mosaic_0001>

<sc_bundles>
// kernel: kernel.3.cloned.1.call-start
scs
__scs_entry_jumppad:
0x0: {  	(pc) =	sbr.rel $0x88, $3  }
0x1: {  	(tag) =	ssettag $0x0;
	lr =	simm.s32 $0x1  }
0x2: {  	[smem:$0x3F9F] =	sst lr;
	_ =	strace $0xD0000000  }
0x3: {  	_ = 	snop  }
0x4: {  	_ = 	snop  }
0x5: {  	_ = 	snop  }
0x6: {  	_ = 	snop  }
0x7: {  	_ = 	snop  }
__scs_overlays_trampoline_lowered:
0x8: {  	[smem:$0x3FAE] =	sst s0  }
0x9: {  	[smem:$0x3FAF] =	sst s1  }
0xa: {  	[smem:$0x3FB0] =	sst s2  }
0xb: {  	[smem:$0x3FB1] =	sst s3  }
0xc: {  	[smem:$0x3FB2] =	sst s4  }
0xd: {  	[smem:$0x3FB3] =	sst s5  }
0xe: {  	[smem:$0x3FB4] =	sst s6  }
0xf: {  	[smem:$0x3FB5] =	sst s7  }
0x10: {  	[smem:$0x3FB6] =	sst s8  }
0x11: {  	[smem:$0x3FB7] =	sst s9;
	s0 =	simm.s32 @!p0 $0x0  }
0x12: {  	s1 =	sld [smem:$0x3F9D];
	s0 =	simm.s32 @p0 $0x1  }
0x13: {  	[smem:$0x3FB8] =	sst s0;
	s0 =	simm.s32 @!p1 $0x0  }
0x14: {  	s2 =	sld [smem:$0x3F9C];
	s0 =	simm.s32 @p1 $0x1  }
0x15: {  	[smem:$0x3FB9] =	sst s0;
	s0 =	simm.s32 @!p2 $0x0  }
0x16: {  	s3 =	sld [smem:$0x3FDB];
	s0 =	simm.s32 @p2 $0x1  }
0x17: {  	s4 =	simm.s32 $0x1BF5;
	[smem:$0x3FBB] =	sst s0  }
0x18: {  	s0 =	sld [smem:$0x3F9E];
	_ =	swait.ge [sflag:s4], $0x0  }
0x19: {  	s7 =	sld [smem:$0x3F9F]  }
0x1a: {  	s8 =	sadd.s32 $0xFFFFE003, lr  }
0x1b: {  	s9 =	sadd.s32 $0xFFFFFEF7, lr;
	s5 =	simm.s32 $0xFFFFFFFF;
	p2 =	slt.u32 s8, $0xFFFFF086  }
0x1c: {  	p1 =	slt.u32 s9, $0xF7A;
	s5 =	simm.s32 @!p2 $0x0  }
0x1d: {  	s5 =	simm.s32 @p1 $0x1;
	p0 =	seq.s32 s7, s2  }
0x1e: {  	s7 =	smul.u32 @!p0 $0xF7A, s2;
	p2 =	seq.s32 @!p0 s5, $0x0  }
0x1f: {  	s9 =	smul.u32 $0xF7A, s1;
	s8 =	simm.s32 @!p0 $0x1BF5;
	p2 =	por !p2, p0  }
0x20: {  	[sflag:s8] =	ssyncset.s32 @!p0 $0xFFFFF086;
	s6 =	sadd.s32 @!p0 s3, s7;
	s7 =	simm.s32 @!p0 $0x108  }
0x21: {  	s3 =	sadd.s32 s3, s9;
	s6 =	sadd.s32 @!p0 $0x88, s6;
	s7 =	simm.s32 @p2 $0x1082  }
0x22: {  	[simem:s7], [sflag:s8] =	dma.local @!p0 [hbm:s6], $0xF7A  }
0x23: {  	s9 =	sor.u32 $0xD0000000, s2;
	s6 =	simm.s32 $0x108;
	_ =	swait.ge @!p0 [sflag:s8], $0x0  }
0x24: {  	s3 =	sadd.s32 $0x88, s3;
	s6 =	simm.s32 @!p1 $0x1082;
	[sflag:s4] =	ssyncset.s32 $0xFFFFF086  }
0x25: {  	[simem:s6], [sflag:s4] =	dma.local [hbm:s3], $0xF7A  }
0x26: {  	[smem:$0x3F9F] =	sst s1;
	(tag) =	ssettag s2;
	_ =	strace s9  }
0x27: {  	s1 =	sld [smem:$0x3FAF]  }
0x28: {  	s2 =	sld [smem:$0x3FB0]  }
0x29: {  	s4 =	sld [smem:$0x3FB2]  }
0x2a: {  	p0 =	seq.s32 s5, $0x0;
	s5 =	sld [smem:$0x3FB3]  }
0x2b: {  	s6 =	sld [smem:$0x3FB4]  }
0x2c: {  	s7 =	sld [smem:$0x3FB5]  }
0x2d: {  	s3 =	simm.s32 $0x108;
	s8 =	sld [smem:$0x3FB6]  }
0x2e: {  	s3 =	simm.s32 @!p0 $0x1082;
	s9 =	sld [smem:$0x3FB7]  }
0x2f: {  	lr =	sadd.s32 s0, s3;
	s0 =	sld [smem:$0x3FAE]  }
0x30: {  	s3 =	sld [smem:$0x3FB1]  }
0x31: {  	[smem:$0x3FBA] =	sst s10  }
0x32: {  	s10 =	sld [smem:$0x3FB8];
	_ =	sdelay $0x3  }
0x33: {  	p0 =	seq.s32 s10, $0x1;
	s10 =	sld [smem:$0x3FBA];
	_ =	sdelay $0x3  }
0x34: {  	[smem:$0x3FBA] =	sst s10  }
0x35: {  	s10 =	sld [smem:$0x3FB9];
	_ =	sdelay $0x3  }
0x36: {  	p1 =	seq.s32 s10, $0x1;
	s10 =	sld [smem:$0x3FBA];
	_ =	sdelay $0x3  }
0x37: {  	[smem:$0x3FBA] =	sst s10  }
0x38: {  	s10 =	sld [smem:$0x3FBB]  }
0x39: {  	_ = 	snop;
	(pc) =	sbr.ind lr, $3  }
0x3a: {  	_ = 	snop  }
0x3b: {  	_ = 	snop  }
0x3c: {  	p2 =	seq.s32 s10, $0x1;
	s10 =	sld [smem:$0x3FBA]  }
0x3d: {  	_ =	shalt  }
0x3e: {  	_ =	shalt  }
0x3f: {  	_ =	shalt  }
0x40: {  	_ =	shalt  }
0x41: {  	_ =	shalt  }
0x42: {  	_ =	shalt  }
0x43: {  	_ =	shalt  }
0x44: {  	_ =	shalt  }
0x45: {  	_ =	shalt  }
0x46: {  	_ =	shalt  }
0x47: {  	_ =	shalt  }
0x48: {  	_ =	shalt  }
0x49: {  	_ =	shalt  }
0x4a: {  	_ =	shalt  }
0x4b: {  	_ =	shalt  }
0x4c: {  	_ =	shalt  }
0x4d: {  	_ =	shalt  }
0x4e: {  	_ =	shalt  }
0x4f: {  	_ =	shalt  }
0x50: {  	_ =	shalt  }
0x51: {  	_ =	shalt  }
0x52: {  	_ =	shalt  }
0x53: {  	_ =	shalt  }
0x54: {  	_ =	shalt  }
0x55: {  	_ =	shalt  }
0x56: {  	_ =	shalt  }
0x57: {  	_ =	shalt  }
0x58: {  	_ =	shalt  }
0x59: {  	_ =	shalt  }
0x5a: {  	_ =	shalt  }
0x5b: {  	_ =	shalt  }
0x5c: {  	_ =	shalt  }
0x5d: {  	_ =	shalt  }
0x5e: {  	_ =	shalt  }
0x5f: {  	_ =	shalt  }
0x60: {  	_ =	shalt  }
0x61: {  	_ =	shalt  }
0x62: {  	_ =	shalt  }
0x63: {  	_ =	shalt  }
0x64: {  	_ =	shalt  }
0x65: {  	_ =	shalt  }
0x66: {  	_ =	shalt  }
0x67: {  	_ =	shalt  }
0x68: {  	_ =	shalt  }
0x69: {  	_ =	shalt  }
0x6a: {  	_ =	shalt  }
0x6b: {  	_ =	shalt  }
0x6c: {  	_ =	shalt  }
0x6d: {  	_ =	shalt  }
0x6e: {  	_ =	shalt  }
0x6f: {  	_ =	shalt  }
0x70: {  	_ =	shalt  }
0x71: {  	_ =	shalt  }
0x72: {  	_ =	shalt  }
0x73: {  	_ =	shalt  }
0x74: {  	_ =	shalt  }
0x75: {  	_ =	shalt  }
0x76: {  	_ =	shalt  }
0x77: {  	_ =	shalt  }
0x78: {  	_ =	shalt  }
0x79: {  	_ =	shalt  }
0x7a: {  	_ =	shalt  }
0x7b: {  	_ =	shalt  }
0x7c: {  	_ =	shalt  }
0x7d: {  	_ =	shalt  }
0x7e: {  	_ =	shalt  }
0x7f: {  	_ =	shalt  }
0x80: {  	_ =	shalt  }
0x81: {  	_ =	shalt  }
0x82: {  	_ =	shalt  }
0x83: {  	_ =	shalt  }
0x84: {  	_ =	shalt  }
0x85: {  	_ =	shalt  }
0x86: {  	_ =	shalt  }
0x87: {  	_ =	shalt  }
.Lfunc_end0:
.L_simem_size_0:
called_computation_lowered:
.L_overlay_start_0:
0x88: {  	s0 =	sld [smem:$0x3FD9]  }
0x89: {  	s1 =	sld [smem:$0x3FFE];
	_ =	sdelay $0x3  }
0x8a: {  	s0 =	sadd.s32 s1, s0  }
0x8b: {  	[smem:$0x3FC6] =	sst s0  }
0x8c: {  	_ = 	snop  }
0x8d: {  	s0 =	sld [smem:$0x3FC9]  }
0x8e: {  	s16 =	sld [smem:$0x3FC8]  }
0x8f: {  	s2 =	sld [smem:$0x3FD0];
	(tm) =	ssettm $0x1  }
0x90: {  	s3 =	sld [smem:$0x3FFB];
	_ =	sdelay $0x3  }
0x91: {  	_ =	strace s3  }
0x92: {  	s3 =	sld [smem:$0x3FFC];
	_ =	sdelay $0x3  }
0x93: {  	_ =	strace s3  }
0x94: {  	s3 =	sld [smem:$0x3FFD];
	_ =	sdelay $0x3  }
0x95: {  	_ =	strace s3  }
0x96: {  	_ =	strace $0x8FFFFFFF  }
0x97: {  	s17 =	sld [smem:$0x3FDB];
	_ =	sdelay $0x1  }
0x98: {  	s4 =	simm.s32 $_scs_section_size  }
0x99: {  	s5 =	simm.s32 $_size__tile_overlayer_lowered;
	s6 =	simm.s32 $_tile_overlayer_lowered  }
0x9a: {  	s20 =	simm.s32 $0x1BFF;
	s19 =	sshll.u32 s6, $0x1;
	s3 =	sadd.s32 s4, s17  }
0x9b: {  	s7 =	simm.s32 $0x0;
	s18 =	sshll.u32 s5, $0x1;
	s5 =	sadd.s32 s19, s3  }
0x9c: {  	[timem:s7], [sflag:s20] =	dma.local [hbm:s5], s18  }
0x9d: {  	_ =	swait.ge [sflag:s20], s18  }
0x9e: {  	s4 =	ssub.s32 $0x0, s18;
	[sflag:s20] =	ssyncset.done $0x0  }
0x9f: {  	[sflag:s20] =	ssyncadd.s32 s4;
	_ =	sdelay $0x1  }
0xa0: {  	s21 =	simm.s32 $0x1B8B  }
0xa1: {  	_ =	swait.ge [sflag:s21], $0x1  }
0xa2: {  	[sflag:s21] =	ssyncset.done $0x0  }
0xa3: {  	s23 =	simm.s32 $0x1B8E;
	s22 =	sld [smem:$0x3FFE];
	[sflag:s21] =	ssyncadd.s32 $0xFFFFFFFF  }
0xa4: {  	s24 =	simm.s32 $execute0_lowered;
	[smem:$0x3FD2] =	sst s23  }
0xa5: {  	s5 =	sshll.u32 s24, $0x1;
	_ =	strace $0x80000046;
	[dreg:$0x1] =	wrdreg $0xFFFFFFFF  }
0xa6: {  	s25 =	simm.s32 $_size_execute0_lowered;
	s3 =	sadd.s32 s3, s5;
	[dreg:$0x0] =	wrdreg $0x0  }
0xa7: {  	s5 =	sshll.u32 s25, $0x1;
	[dreg:$0x2] =	wrdreg s3  }
0xa8: {  	[dreg:$0x3] =	wrdreg s5  }
0xa9: {  	[dreg:$0x4] =	wrdreg $0xC0  }
0xaa: {  	_ =	task [dreg:s7], $0x5FFFF  }
0xab: {  	[dreg:$0x1] =	wrdreg $0xFFFFFFFF  }
0xac: {  	[dreg:$0x0] =	wrdreg $0x60  }
0xad: {  	[dreg:$0x2] =	wrdreg s0  }
0xae: {  	[dreg:$0x3] =	wrdreg s16  }
0xaf: {  	[dreg:$0x4] =	wrdreg s22  }
0xb0: {  	[dreg:$0x5] =	wrdreg s2  }
0xb1: {  	[dreg:$0x6] =	wrdreg $0x6A000  }
0xb2: {  	[dreg:$0x7] =	wrdreg $0x9  }
0xb3: {  	_ =	task.clear_ibuf [dreg:s7], $0x8FFFF;
	_ =	strace $0x90000046  }
0xb4: {  	s26 =	simm.s32 $0x9;
	_ =	strace $0x80000048  }
0xb5: {  	_ =	swait.ge [sflag:s26], $0x1  }
0xb6: {  	[sflag:s26] =	ssyncadd.s32 $0xFFFFFFFF  }
0xb7: {  	_ =	strace $0x90000048  }
0xb8: {  	_ =	sfence  }
0xb9: {  	s28 =	sld [smem:$0x0];
	_ =	sdelay $0x1  }
0xba: {  	s29 =	srdreg.scid  }
0xbb: {  	s30 =	sshll.u32 s29, $0xD;
	s31 =	sshrl.u32 s29, $0x2  }
0xbc: {  	s1 =	sand.u32 $0x1, s29;
	s2 =	sand.u32 $0x4000, s30;
	s0 =	sadd.s32 s31, s28  }
0xbd: {  	s1 =	sor.u32 s2, s1;
	s0 =	sshll.u32 s0, $0x11  }
0xbe: {  	s0 =	sor.u32 s0, s1  }
0xbf: {  	s0 =	sadd.s32 $0x8F2B, s0  }
0xc0: {  	[sflag:s0] =	ssyncadd.remote.s32 $0x1  }
0xc1: {  	_ =	sfence.sel $0xFFFF  }
0xc2: {  	[dreg:$0x0] =	wrdreg $0xFFFFFFFF;
	(pc) =	sbr.abs _section_cstart, $3  }
0xc3: {  	[dreg:$0x1] =	wrdreg $0xFFFFFFFF  }
0xc4: {  	_ =	task.clear_ibuf [dreg:s7], $0x2FFFF;
	_ =	strace $0x9FFFFFFF  }
0xc5: {  	(tm) =	ssettm $0x7FFFFFFF  }
tec
execute0_lowered:
.L_overlay_start_1:
0x0: {  	(tag) =	ssettag $0x1  }
0x1: {  	s4 =	rddreg [dreg:$0x0]  }
0x2: {  	s5 =	rddreg [dreg:$0x1]  }
0x3: {  	s6 =	rddreg [dreg:$0x2]  }
0x4: {  	s1 =	rddreg [dreg:$0x3]  }
0x5: {  	s3 =	rddreg [dreg:$0x4]  }
0x6: {  	s0 =	rddreg [dreg:$0x5];
	s9 =	simm.s32 $0x0;
	s2 =	stileid.u32  }
0x7: {  	[smem:$0x7FF] =	sst s9;
	p0 =	seq.s32 s2, $0xF  }
0x8: {  	_ =	strace $0x80000047;
	s7 =	sadd.s32 @p0 $0x16F8, s4;
	s8 =	simm.s32 @p0 $0x0  }
0x9: {  	[tilespmem:s8], [sflag:$0x1] =	stream.linear.gather @p0 [hbm4b:s7+s8], $0xB90, $0x38;
	[tilespmem:$0x7600] =	vst v63  }
0xa: {  	s10 =	simm.s32 @p0 $0xC80;
	s7 =	sadd.s32 @p0 $0x16F8, s5  }
0xb: {  	[tilespmem:s10], [sflag:$0x1] =	stream.linear.gather @p0 [hbm4b:s7+s8], $0xB90, $0x38;
	[tilespmem:$0x7600] =	vst v63  }
0xc: {  	s6 =	sadd.s32 $0x400, s6;
	s7 =	simm.s32 @p0 $0x1900  }
0xd: {  	[tilespmem:s7], [sflag:$0x1] =	stream.linear.gather @p0 [hbm4b:s6+s8], $0x4000, $0x38;
	[tilespmem:$0x7600] =	vst v63  }
0xe: {  	s7 =	simm.s32 @p0 $0x1  }
0xf: {  	_ =	swait.ge @p0 [sflag:s7], $0xB90  }
0x10: {  	[sflag:s7] =	ssyncset.done @p0 $0x0  }
0x11: {  	[sflag:s7] =	ssyncadd.s32 @p0 $0xFFFFF470  }
0x12: {  	_ =	swait.ge @p0 [sflag:s7], $0xB90  }
0x13: {  	[sflag:s7] =	ssyncset.done @p0 $0x0  }
0x14: {  	v0 =	vimm.s32 @p0 $0x3FF;
	[sflag:s7] =	ssyncadd.s32 @p0 $0xFFFFF470  }
0x15: {  	[tilespmem:$0x1810] =	vst @p0 v0  }
0x16: {  	[tilespmem:$0x1820] =	vst @p0 v0  }
0x17: {  	[tilespmem:$0x1830] =	vst @p0 v0  }
0x18: {  	[tilespmem:$0x1840] =	vst @p0 v0  }
0x19: {  	[tilespmem:$0x1850] =	vst @p0 v0  }
0x1a: {  	[tilespmem:$0x1860] =	vst @p0 v0  }
0x1b: {  	[tilespmem:$0x1870] =	vst @p0 v0  }
0x1c: {  	[tilespmem:$0x1880] =	vst @p0 v0  }
0x1d: {  	s7 =	smul.u32 @!p0 $0x188, s2;
	[tilespmem:$0x1890] =	vst @p0 v0  }
0x1e: {  	[tilespmem:$0x18A0] =	vst @p0 v0  }
0x1f: {  	s8 =	simm.s32 @!p0 $0x0;
	[tilespmem:$0x18B0] =	vst @p0 v0;
	s4 =	sadd.s32 @!p0 s4, s7  }
0x20: {  	[tilespmem:s8], [sflag:$0x1] =	stream.linear.gather @!p0 [hbm4b:s4+s8], $0xC40, $0x38;
	[tilespmem:$0x7600] =	vst v63  }
0x21: {  	s4 =	sadd.s32 @!p0 s5, s7;
	s5 =	simm.s32 @!p0 $0xC80  }
0x22: {  	[tilespmem:s5], [sflag:$0x1] =	stream.linear.gather @!p0 [hbm4b:s4+s8], $0xC40, $0x38;
	[tilespmem:$0x7600] =	vst v63  }
0x23: {  	s4 =	simm.s32 @!p0 $0x1900  }
0x24: {  	[tilespmem:s4], [sflag:$0x1] =	stream.linear.gather @!p0 [hbm4b:s6+s8], $0x4000, $0x38;
	[tilespmem:$0x7600] =	vst v63  }
0x25: {  	s4 =	simm.s32 @!p0 $0x1  }
0x26: {  	s11 =	simm.s32 $0x1;
	s28 =	sshrl.u32 s2, $0x3;
	_ =	swait.ge @!p0 [sflag:s4], $0xC40  }
0x27: {  	s29 =	sshll.u32 s2, $0x9;
	s30 =	sshll.u32 s2, $0x7;
	[sflag:s4] =	ssyncset.done @!p0 $0x0  }
0x28: {  	s31 =	sshll.u32 s2, $0xA;
	s10 =	sand.u32 $0x380, s30;
	[sflag:s4] =	ssyncadd.s32 @!p0 $0xFFFFF3C0  }
0x29: {  	s5 =	sshll.u32 s2, $0x6;
	s6 =	smul.u32 $0x18000, s28;
	_ =	swait.ge @!p0 [sflag:s4], $0xC40  }
0x2a: {  	s7 =	sand.u32 $0x40, s5;
	s8 =	sand.u32 $0x1C00, s29;
	[sflag:s4] =	ssyncset.done @!p0 $0x0  }
0x2b: {  	s8 =	sadd.s32 s8, s3;
	s6 =	sshrl.u32 s6, $0x2;
	[sflag:s4] =	ssyncadd.s32 @!p0 $0xFFFFF3C0  }
0x2c: {  	s6 =	sadd.s32 s6, s3;
	s3 =	sadd.s32 $0x2000, s3;
	_ =	swait.ge [sflag:s11], $0x4000  }
0x2d: {  	v2 =	vimm.f32 $0.0e+00;
	v0 =	vlaneseq.u32;
	s6 =	sadd.s32 s10, s6;
	s10 =	simm.s32 $0x0;
	[sflag:s11] =	ssyncset.done $0x0  }
0x2e: {  	v1 =	vimm.f32 $0.0e+00;
	v3 =	vmul.u32 $0x400, v0;
	v0 =	vimm.f32 $0.0e+00;
	s4 =	sadd.s32 s31, s3;
	[sflag:s11] =	ssyncadd.s32 $0xFFFFC000;
	s11 =	simm.s32 $0x1900  }
.LBB2_1:
0x2f: {  	s12 =	sshra.s32 s10, $0x2  }
0x30: {  	v4 =	vld [tilespmem:s12+$0xC80];
	_ =	sdelay $0x4  }
0x31: {  	v5 =	vadd.s32 v3, v4;
	_ =	sdelay $0x3  }
0x32: {  	v6 =	vld [tilespmem:s12+$0x0]  }
0x33: {  	v7 =	vld.idx.msk [tilespmem:v5+s11+$0x0], $0xffff;
	_ =	sdelay $0x4  }
0x34: {  	v7 =	vmax.f32 v7, v6  }
0x35: {  	[tilespmem:v5+s11+$0x0] =	vst.idx.msk $0xffff, v7  }
0x36: {  	v5 =	vld [tilespmem:s12+$0xC90];
	_ =	sdelay $0x4  }
0x37: {  	v61 =	vadd.s32 v3, v5;
	_ =	sdelay $0x3  }
0x38: {  	v8 =	vld [tilespmem:s12+$0x10]  }
0x39: {  	v9 =	vld.idx.msk [tilespmem:v61+s11+$0x0], $0xffff  }
0x3a: {  	p0 =	sne.s32 s10, $0x3080  }
.Ltmp0:
0x3b: {  	vm0 =	veq.s32 v4, $0x0;
	(pc) =	sbr.rel @p0 .LBB2_1-.Ltmp0, $4  }
0x3c: {  	v4 =	vnsel vm0, $0x0, v6;
	v62 =	vsel vm0, $0x3F800000, v2  }
0x3d: {  	v1 =	vadd.f32 v4, v1;
	v0 =	vadd.f32 v62, v0;
	vm15 =	veq.s32 v5, $0x0  }
0x3e: {  	v5 =	vnsel vm15, $0x0, v8;
	v63 =	vsel vm15, $0x3F800000, v2;
	v4 =	vmax.f32 v9, v8  }
0x3f: {  	s10 =	sadd.s32 $0x80, s10;
	v1 =	vadd.f32 v5, v1;
	v0 =	vadd.f32 v63, v0;
	[tilespmem:v61+s11+$0x0] =	vst.idx.msk $0xffff, v4  }
0x40: {  	s9 =	sand.u32 $0x3F0, s9;
	v3 =	vld [tilespmem:s11+$0x0]  }
0x41: {  	v2 =	vld [tilespmem:s9+$0x1D00]  }
0x42: {  	v4 =	vld [tilespmem:s9+$0x2100]  }
0x43: {  	v5 =	vld [tilespmem:s9+$0x2500]  }
0x44: {  	v6 =	vld [tilespmem:s9+$0x2900]  }
0x45: {  	v7 =	vld [tilespmem:s9+$0x2D00]  }
0x46: {  	v2 =	vmax.f32 v3, v2;
	v3 =	vld [tilespmem:s9+$0x3100]  }
0x47: {  	v56 =	vld [tilespmem:s9+$0x3500];
	v2 =	vmax.f32 v2, v4  }
0x48: {  	v57 =	vld [tilespmem:s9+$0x3900];
	v2 =	vmax.f32 v2, v5  }
0x49: {  	v58 =	vld [tilespmem:s9+$0x3D00];
	v2 =	vmax.f32 v2, v6  }
0x4a: {  	v59 =	vld [tilespmem:s9+$0x4100];
	v2 =	vmax.f32 v2, v7  }
0x4b: {  	v2 =	vmax.f32 v2, v3;
	v3 =	vld [tilespmem:s9+$0x4500]  }
0x4c: {  	v60 =	vld [tilespmem:s9+$0x4900];
	v2 =	vmax.f32 v2, v56  }
0x4d: {  	v61 =	vld [tilespmem:s9+$0x4D00];
	v2 =	vmax.f32 v2, v57  }
0x4e: {  	v62 =	vld [tilespmem:s9+$0x5100];
	v2 =	vmax.f32 v2, v58  }
0x4f: {  	v63 =	vld [tilespmem:s9+$0x5500];
	v2 =	vmax.f32 v2, v59  }
0x50: {  	v2 =	vmax.f32 v2, v3  }
0x51: {  	v2 =	vmax.f32 v2, v60  }
0x52: {  	v2 =	vmax.f32 v2, v61  }
0x53: {  	v2 =	vmax.f32 v2, v62  }
0x54: {  	s10 =	simm.s32 $0x10;
	s9 =	simm.s32 $0x5900;
	v2 =	vmax.f32 v2, v63  }
0x55: {  	s10 =	sand.u32 $0x3F0, s10;
	[tilespmem:s9+$0x0] =	vst v2  }
0x56: {  	s12 =	simm.s32 $0x20;
	s11 =	simm.s32 $0x1910;
	v2 =	vld [tilespmem:s10+$0x1D00]  }
.LBB2_3:
0x57: {  	p0 =	sne.s32 s12, $0x3F0;
	v3 =	vld [tilespmem:s11+$0x0]  }
0x58: {  	v4 =	vld [tilespmem:s10+$0x2100]  }
0x59: {  	v5 =	vld [tilespmem:s10+$0x2500]  }
0x5a: {  	v6 =	vld [tilespmem:s10+$0x2900]  }
0x5b: {  	v7 =	vld [tilespmem:s10+$0x2D00]  }
0x5c: {  	v2 =	vmax.f32 v3, v2;
	v3 =	vld [tilespmem:s10+$0x3100]  }
0x5d: {  	v2 =	vmax.f32 v2, v4;
	v4 =	vld [tilespmem:s10+$0x3500]  }
0x5e: {  	v2 =	vmax.f32 v2, v5;
	v5 =	vld [tilespmem:s10+$0x3900]  }
0x5f: {  	v2 =	vmax.f32 v2, v6;
	v6 =	vld [tilespmem:s10+$0x3D00]  }
0x60: {  	v2 =	vmax.f32 v2, v7;
	v7 =	vld [tilespmem:s10+$0x4100]  }
0x61: {  	v2 =	vmax.f32 v2, v3;
	v3 =	vld [tilespmem:s10+$0x4500]  }
0x62: {  	v2 =	vmax.f32 v2, v4;
	v4 =	vld [tilespmem:s10+$0x4900]  }
0x63: {  	v2 =	vmax.f32 v2, v5;
	v5 =	vld [tilespmem:s10+$0x4D00]  }
0x64: {  	v2 =	vmax.f32 v2, v6;
	v6 =	vld [tilespmem:s10+$0x5100]  }
0x65: {  	v2 =	vmax.f32 v2, v7;
	v7 =	vld [tilespmem:s10+$0x5500]  }
0x66: {  	v2 =	vmax.f32 v2, v3  }
0x67: {  	v2 =	vmax.f32 v2, v4  }
.Ltmp1:
0x68: {  	v2 =	vmax.f32 v2, v5;
	(pc) =	sbr.rel @p0 .LBB2_3-.Ltmp1, $4  }
0x69: {  	v2 =	vmax.f32 v2, v6  }
0x6a: {  	s9 =	sadd.s32 $0x10, s9;
	v2 =	vmax.f32 v2, v7  }
0x6b: {  	s10 =	sand.u32 $0x3F0, s12;
	[tilespmem:s9+$0x0] =	vst v2  }
0x6c: {  	s11 =	sadd.s32 $0x10, s11;
	s12 =	sadd.s32 $0x10, s12;
	v2 =	vld [tilespmem:s10+$0x1D00]  }
0x6d: {  	v3 =	vld [tilespmem:s11+$0x0]  }
0x6e: {  	v4 =	vld [tilespmem:s10+$0x2100]  }
0x6f: {  	v5 =	vld [tilespmem:s10+$0x2500]  }
0x70: {  	v6 =	vld [tilespmem:s10+$0x2900]  }
0x71: {  	v7 =	vld [tilespmem:s10+$0x2D00]  }
0x72: {  	v2 =	vmax.f32 v3, v2;
	v3 =	vld [tilespmem:s10+$0x3100]  }
0x73: {  	v2 =	vmax.f32 v2, v4;
	v4 =	vld [tilespmem:s10+$0x3500]  }
0x74: {  	v2 =	vmax.f32 v2, v5;
	v5 =	vld [tilespmem:s10+$0x3900]  }
0x75: {  	v2 =	vmax.f32 v2, v6;
	v6 =	vld [tilespmem:s10+$0x3D00]  }
0x76: {  	v2 =	vmax.f32 v2, v7;
	v7 =	vld [tilespmem:s10+$0x4100]  }
0x77: {  	v2 =	vmax.f32 v2, v3;
	v3 =	vld [tilespmem:s10+$0x4500]  }
0x78: {  	v2 =	vmax.f32 v2, v4;
	v4 =	vld [tilespmem:s10+$0x4900]  }
0x79: {  	v2 =	vmax.f32 v2, v5;
	v5 =	vld [tilespmem:s10+$0x4D00]  }
0x7a: {  	v2 =	vmax.f32 v2, v6;
	v6 =	vld [tilespmem:s10+$0x5100]  }
0x7b: {  	v2 =	vmax.f32 v2, v7;
	v7 =	vld [tilespmem:s10+$0x5500]  }
0x7c: {  	v2 =	vmax.f32 v2, v3  }
0x7d: {  	v2 =	vmax.f32 v2, v4  }
0x7e: {  	v2 =	vmax.f32 v2, v5  }
0x7f: {  	v2 =	vmax.f32 v2, v6  }
0x80: {  	s9 =	sadd.s32 $0x10, s9;
	v2 =	vmax.f32 v2, v7  }
0x81: {  	s7 =	sadd.s32 s7, s8;
	s16 =	simm.s32 $0x5900;
	[tilespmem:s9+$0x0] =	vst v2  }
0x82: {  	[spmem:s7] =	stream.linear.scatter [tilespmem:s16], [sflag:$0x1], $0x40, $0x38;
	[tilespmem:$0x7600] =	vst v63  }
0x83: {  	s18 =	simm.s32 $0x5940;
	s17 =	sadd.s32 $0x80, s7  }
0x84: {  	[spmem:s17] =	stream.linear.scatter [tilespmem:s18], [sflag:$0x1], $0x40, $0x38;
	[tilespmem:$0x7600] =	vst v63  }
0x85: {  	s20 =	simm.s32 $0x5980;
	s19 =	sadd.s32 $0x100, s7  }
0x86: {  	[spmem:s19] =	stream.linear.scatter [tilespmem:s20], [sflag:$0x1], $0x40, $0x38;
	[tilespmem:$0x7600] =	vst v63  }
0x87: {  	s22 =	simm.s32 $0x59C0;
	s21 =	sadd.s32 $0x180, s7  }
0x88: {  	[spmem:s21] =	stream.linear.scatter [tilespmem:s22], [sflag:$0x1], $0x40, $0x38;
	[tilespmem:$0x7600] =	vst v63  }
0x89: {  	s24 =	simm.s32 $0x5A00;
	s23 =	sadd.s32 $0x200, s7  }
0x8a: {  	[spmem:s23] =	stream.linear.scatter [tilespmem:s24], [sflag:$0x1], $0x40, $0x38;
	[tilespmem:$0x7600] =	vst v63  }
0x8b: {  	s26 =	simm.s32 $0x5A40;
	s25 =	sadd.s32 $0x280, s7  }
0x8c: {  	[spmem:s25] =	stream.linear.scatter [tilespmem:s26], [sflag:$0x1], $0x40, $0x38;
	[tilespmem:$0x7600] =	vst v63  }
0x8d: {  	s29 =	simm.s32 $0x5A80;
	s28 =	sadd.s32 $0x300, s7  }
0x8e: {  	[spmem:s28] =	stream.linear.scatter [tilespmem:s29], [sflag:$0x1], $0x40, $0x38;
	[tilespmem:$0x7600] =	vst v63  }
0x8f: {  	s31 =	simm.s32 $0x5AC0;
	s30 =	sadd.s32 $0x380, s7  }
0x90: {  	[spmem:s30] =	stream.linear.scatter [tilespmem:s31], [sflag:$0x1], $0x40, $0x38;
	[tilespmem:$0x7600] =	vst v63  }
0x91: {  	s11 =	simm.s32 $0x5B00;
	s10 =	sadd.s32 $0x6000, s7  }
0x92: {  	[spmem:s10] =	stream.linear.scatter [tilespmem:s11], [sflag:$0x1], $0x40, $0x38;
	[tilespmem:$0x7600] =	vst v63  }
0x93: {  	s13 =	simm.s32 $0x5B40;
	s12 =	sadd.s32 $0x6080, s7  }
0x94: {  	[spmem:s12] =	stream.linear.scatter [tilespmem:s13], [sflag:$0x1], $0x40, $0x38;
	[tilespmem:$0x7600] =	vst v63  }
0x95: {  	s15 =	simm.s32 $0x5B80;
	s14 =	sadd.s32 $0x6100, s7  }
0x96: {  	[spmem:s14] =	stream.linear.scatter [tilespmem:s15], [sflag:$0x1], $0x40, $0x38;
	[tilespmem:$0x7600] =	vst v63  }
0x97: {  	s16 =	sadd.s32 $0x6180, s7;
	s17 =	simm.s32 $0x5BC0  }
0x98: {  	[spmem:s16] =	stream.linear.scatter [tilespmem:s17], [sflag:$0x1], $0x40, $0x38;
	[tilespmem:$0x7600] =	vst v63  }
0x99: {  	s18 =	sadd.s32 $0x6200, s7;
	s19 =	simm.s32 $0x5C00  }
0x9a: {  	[spmem:s18] =	stream.linear.scatter [tilespmem:s19], [sflag:$0x1], $0x40, $0x38;
	[tilespmem:$0x7600] =	vst v63  }
0x9b: {  	s20 =	sadd.s32 $0x6280, s7;
	s21 =	simm.s32 $0x5C40  }
0x9c: {  	[spmem:s20] =	stream.linear.scatter [tilespmem:s21], [sflag:$0x1], $0x40, $0x38;
	[tilespmem:$0x7600] =	vst v63  }
0x9d: {  	s22 =	sadd.s32 $0x6300, s7;
	s23 =	simm.s32 $0x5C80  }
0x9e: {  	[spmem:s22] =	stream.linear.scatter [tilespmem:s23], [sflag:$0x1], $0x40, $0x38;
	[tilespmem:$0x7600] =	vst v63  }
0x9f: {  	s7 =	sadd.s32 $0x6380, s7;
	s24 =	simm.s32 $0x5CC0;
	s25 =	simm.s32 $0x1  }
0xa0: {  	[spmem:s7] =	stream.linear.scatter [tilespmem:s24], [sflag:$0x1], $0x40, $0x38;
	[tilespmem:$0x7600] =	vst v63  }
0xa1: {  	_ =	swait.ge [sflag:s25], $0x400  }
0xa2: {  	[sflag:s25] =	ssyncset.done $0x0  }
0xa3: {  	s26 =	simm.s32 $0x80;
	s28 =	simm.s32 $0x400;
	[sflag:s25] =	ssyncadd.s32 $0xFFFFFC00  }
0xa4: {  	s29 =	simm.s32 $0x5D00;
	s30 =	simm.s32 $0x2;
	[bflag:$0x0] =	sbarrier.arrive $0xFFFF  }
0xa5: {  	[tilespmem:s29], [sflag:$0x2] =	stream.strided.gather [spmem:s6], $0x400, s28, s26, $0x38;
	[tilespmem:$0x7600] =	vst v63  }
0xa6: {  	_ =	swait.ge [sflag:s30], $0x400  }
0xa7: {  	[sflag:s30] =	ssyncset.done $0x0  }
0xa8: {  	s31 =	simm.s32 $0x5F00;
	[sflag:s30] =	ssyncadd.s32 $0xFFFFFC00  }
0xa9: {  	v2 =	vld [tilespmem:s31+$0xFFFFFE00]  }
0xaa: {  	v3 =	vld [tilespmem:s31+$0xFFFFFE40]  }
0xab: {  	v4 =	vld [tilespmem:s31+$0xFFFFFE80]  }
0xac: {  	v5 =	vld [tilespmem:s31+$0xFFFFFEC0]  }
0xad: {  	v6 =	vld [tilespmem:s31+$0xFFFFFF00]  }
0xae: {  	v7 =	vld [tilespmem:s31+$0xFFFFFF40]  }
0xaf: {  	v2 =	vmax.f32 v2, v3;
	v3 =	vld [tilespmem:s31+$0xFFFFFF80]  }
0xb0: {  	v2 =	vmax.f32 v2, v4;
	v4 =	vld [tilespmem:s31+$0xFFFFFFC0]  }
0xb1: {  	v2 =	vmax.f32 v2, v5;
	v5 =	vld [tilespmem:s31+$0x0]  }
0xb2: {  	v2 =	vmax.f32 v2, v6;
	v6 =	vld [tilespmem:s31+$0x40]  }
0xb3: {  	v2 =	vmax.f32 v2, v7;
	v7 =	vld [tilespmem:s31+$0x80]  }
0xb4: {  	v2 =	vmax.f32 v2, v3;
	v3 =	vld [tilespmem:s31+$0xC0]  }
0xb5: {  	v2 =	vmax.f32 v2, v4  }
0xb6: {  	v4 =	vld [tilespmem:s31+$0x100];
	v2 =	vmax.f32 v2, v5  }
0xb7: {  	v9 =	vld [tilespmem:s31+$0x140];
	v2 =	vmax.f32 v2, v6  }
0xb8: {  	v8 =	vld [tilespmem:s31+$0x180];
	v2 =	vmax.f32 v2, v7  }
0xb9: {  	s7 =	simm.s32 $0x5F10;
	v5 =	vlaneseq.u32;
	v7 =	vld [tilespmem:s31+$0x1C0];
	v6 =	vmax.f32 v2, v3  }
0xba: {  	v10 =	vld [tilespmem:s7+$0xFFFFFE00];
	v2 =	vimm.f32 $0.0e+00;
	v3 =	vadd.s32 $0xFFFFFFFF, v5;
	v5 =	vimm.f32 $0.0e+00  }
0xbb: {  	s8 =	simm.s32 $0x0;
	s9 =	simm.s32 $0x20;
	s6 =	simm.s32 $0x10;
	v12 =	vld [tilespmem:s7+$0xFFFFFE40];
	v11 =	vmax.f32 v6, v4;
	v6 =	vimm.f32 $0.0e+00;
	v4 =	vimm.f32 $0.0e+00  }
.LBB2_5:
0xbc: {  	p0 =	sne.s32 s9, $0x30;
	v13 =	vld [tilespmem:s7+$0xFFFFFE80];
	v9 =	vmax.f32 v11, v9  }
0xbd: {  	v11 =	vld [tilespmem:s7+$0xFFFFFEC0];
	v8 =	vmax.f32 v9, v8  }
0xbe: {  	s10 =	sadd.s32 s8, s5;
	s8 =	smov.u32 s6;
	s6 =	smov.u32 s9;
	v9 =	vld [tilespmem:s7+$0xFFFFFF00];
	v7 =	vmax.f32 v8, v7  }
0xbf: {  	v14 =	vadd.s32 s10, v3;
	v8 =	vld [tilespmem:s7+$0xFFFFFF40];
	vm0 =	vgt.f32 v7, $0.0e+00;
	vm1 =	veq.f32 v7, $0.0e+00  }
0xc0: {  	vm2 =	vlt.u32 v14, $0x3E7;
	v10 =	vmax.f32 v10, v12;
	v12 =	vld [tilespmem:s7+$0xFFFFFF80];
	v14 =	vnsel vm0, $0x0, v7  }
0xc1: {  	vm0 =	vge.f32 v7, $0.0e+00;
	v10 =	vmax.f32 v10, v13;
	v13 =	vld [tilespmem:s7+$0xFFFFFFC0];
	v7 =	vsub.f32 $1.000000000e+00, v14  }
0xc2: {  	vm1 =	vmand vm2, vm1;
	vm0 =	vmand vm2, vm0;
	v10 =	vmax.f32 v10, v11;
	v11 =	vld [tilespmem:s7+$0x0]  }
0xc3: {  	v14 =	vsel vm0, $0x3F800000, v2;
	v9 =	vmax.f32 v10, v9;
	v10 =	vld [tilespmem:s7+$0x40];
	v7 =	vnsel vm0, $0x0, v7  }
0xc4: {  	v8 =	vmax.f32 v9, v8;
	v15 =	vld [tilespmem:s7+$0x80];
	v6 =	vadd.f32 v7, v6;
	v7 =	vsel vm1, $0x3F800000, v2  }
0xc5: {  	v5 =	vadd.f32 v14, v5;
	v8 =	vmax.f32 v8, v12;
	v12 =	vld [tilespmem:s7+$0xC0];
	v4 =	vadd.f32 v7, v4  }
0xc6: {  	v7 =	vmax.f32 v8, v13;
	v13 =	vld [tilespmem:s7+$0x100]  }
.Ltmp2:
0xc7: {  	v7 =	vmax.f32 v7, v11;
	v9 =	vld [tilespmem:s7+$0x140];
	(pc) =	sbr.rel @p0 .LBB2_5-.Ltmp2, $4  }
0xc8: {  	v7 =	vmax.f32 v7, v10;
	v8 =	vld [tilespmem:s7+$0x180]  }
0xc9: {  	v11 =	vmax.f32 v7, v15;
	v7 =	vld [tilespmem:s7+$0x1C0];
	s7 =	sadd.s32 $0x10, s7  }
0xca: {  	v10 =	vld [tilespmem:s7+$0xFFFFFE00];
	v11 =	vmax.f32 v11, v12  }
0xcb: {  	s9 =	sadd.s32 $0x10, s9;
	v12 =	vld [tilespmem:s7+$0xFFFFFE40];
	v11 =	vmax.f32 v11, v13  }
0xcc: {  	v13 =	vld [tilespmem:s7+$0xFFFFFE80]  }
0xcd: {  	v14 =	vld [tilespmem:s7+$0xFFFFFEC0]  }
0xce: {  	v15 =	vld [tilespmem:s7+$0xFFFFFF00]  }
0xcf: {  	v16 =	vld [tilespmem:s7+$0xFFFFFF40]  }
0xd0: {  	v42 =	vld [tilespmem:s7+$0xFFFFFF80];
	v10 =	vmax.f32 v10, v12  }
0xd1: {  	v43 =	vld [tilespmem:s7+$0xFFFFFFC0];
	v10 =	vmax.f32 v10, v13  }
0xd2: {  	v44 =	vld [tilespmem:s7+$0x0];
	v10 =	vmax.f32 v10, v14  }
0xd3: {  	v45 =	vld [tilespmem:s7+$0x40];
	v10 =	vmax.f32 v10, v15  }
0xd4: {  	v46 =	vld [tilespmem:s7+$0x80];
	v10 =	vmax.f32 v10, v16  }
0xd5: {  	v47 =	vld [tilespmem:s7+$0xC0];
	v9 =	vmax.f32 v11, v9;
	v10 =	vmax.f32 v10, v42  }
0xd6: {  	v48 =	vld [tilespmem:s7+$0x100];
	s8 =	sadd.s32 s8, s5;
	s30 =	sadd.s32 s6, s5;
	v8 =	vmax.f32 v9, v8;
	v10 =	vmax.f32 v10, v43  }
0xd7: {  	v49 =	vld [tilespmem:s7+$0x140];
	v53 =	vadd.s32 s8, v3;
	v58 =	vadd.s32 s30, v3;
	v10 =	vmax.f32 v10, v44  }
0xd8: {  	v50 =	vld [tilespmem:s7+$0x180];
	v7 =	vmax.f32 v8, v7;
	vm2 =	vlt.u32 v53, $0x3E7;
	v10 =	vmax.f32 v10, v45  }
0xd9: {  	v52 =	vld [tilespmem:s7+$0x1C0];
	vm12 =	vlt.u32 v58, $0x3E7;
	vm0 =	vgt.f32 v7, $0.0e+00;
	v51 =	vmax.f32 v10, v46  }
0xda: {  	vm1 =	veq.f32 v7, $0.0e+00;
	vm10 =	vge.f32 v7, $0.0e+00;
	v9 =	vmax.f32 v51, v47  }
0xdb: {  	v54 =	vnsel vm0, $0x0, v7;
	vm0 =	vmand vm2, vm10;
	v9 =	vmax.f32 v9, v48  }
0xdc: {  	vm1 =	vmand vm2, vm1;
	v55 =	vsub.f32 $1.000000000e+00, v54;
	v9 =	vmax.f32 v9, v49  }
0xdd: {  	v57 =	vsel vm0, $0x3F800000, v2;
	v61 =	vsel vm1, $0x3F800000, v2;
	v56 =	vmax.f32 v9, v50  }
0xde: {  	v5 =	vadd.f32 v57, v5;
	v4 =	vadd.f32 v61, v4;
	v8 =	vmax.f32 v56, v52  }
0xdf: {  	v7 =	vnsel vm0, $0x0, v55;
	vm11 =	vgt.f32 v8, $0.0e+00;
	vm13 =	vge.f32 v8, $0.0e+00  }
0xe0: {  	vm15 =	veq.f32 v8, $0.0e+00;
	v59 =	vnsel vm11, $0x0, v8;
	vm14 =	vmand vm12, vm13  }
0xe1: {  	vm0 =	vmand vm12, vm15;
	v60 =	vsub.f32 $1.000000000e+00, v59;
	v62 =	vsel vm14, $0x3F800000, v2  }
0xe2: {  	[tilespmem:$0x6130] =	vst v1;
	v6 =	vadd.f32 v7, v6;
	v63 =	vsel vm0, $0x3F800000, v2;
	v5 =	vadd.f32 v62, v5  }
0xe3: {  	[tilespmem:$0x6140] =	vst v0;
	v2 =	vadd.f32 v63, v4;
	v3 =	vnsel vm14, $0x0, v60  }
0xe4: {  	v3 =	vadd.f32 v3, v6;
	[tilespmem:$0x6110] =	vst v5  }
0xe5: {  	[tilespmem:$0x6120] =	vst v2  }
0xe6: {  	s31 =	simm.s32 $0x6100;
	[tilespmem:$0x6100] =	vst v3  }
0xe7: {  	[spmem:s4] =	stream.linear.scatter [tilespmem:s31], [sflag:$0x2], $0x80, $0x38;
	[tilespmem:$0x7600] =	vst v63  }
0xe8: {  	s4 =	simm.s32 $0x2  }
0xe9: {  	_ =	swait.ge [sflag:s4], $0x80  }
0xea: {  	[sflag:s4] =	ssyncset.done $0x0  }
0xeb: {  	[sflag:s4] =	ssyncadd.s32 $0xFFFFFF80  }
0xec: {  	p0 =	sne.s32 s2, $0x0;
	[bflag:$0x0] =	sbarrier.arrive $0xFFFF  }
0xed: {  	_ =	sfence.sel @p0 $0x180000  }
0xee: {  	[bflag:$0x0] =	sbarrier.arrive @p0 $0xFFFF  }
0xef: {  	_ =	strace @p0 $0x90000047  }
0xf0: {  	[bflag:$0x2] =	sbarrier.arrive @p0 $0xFFFF  }
0xf1: {  	_ =	shalt @p0  }
.LBB2_7:
0xf2: {  	s2 =	simm.s32 $0x80;
	s5 =	simm.s32 $0x400;
	s6 =	simm.s32 $0x6180  }
0xf3: {  	[tilespmem:s6], [sflag:$0x2] =	stream.strided.gather [spmem:s3], $0x800, s5, s2, $0x38;
	[tilespmem:$0x7600] =	vst v63  }
0xf4: {  	_ =	swait.ge [sflag:s4], $0x800  }
0xf5: {  	[sflag:s4] =	ssyncset.done $0x0  }
0xf6: {  	s31 =	simm.s32 $0x0;
	[sflag:s4] =	ssyncadd.s32 $0xFFFFF800  }
0xf7: {  	v0 =	vld [tilespmem:s31+$0x61C0]  }
0xf8: {  	v3 =	vld [tilespmem:s31+$0x6180]  }
0xf9: {  	v2 =	vld [tilespmem:s31+$0x6190]  }
0xfa: {  	v1 =	vimm.f32 $0.0e+00;
	v4 =	vimm.f32 $0.0e+00;
	v5 =	vld [tilespmem:s31+$0x61A0]  }
0xfb: {  	v7 =	vimm.f32 $0.0e+00;
	v9 =	vimm.f32 $0.0e+00;
	v8 =	vimm.f32 $0.0e+00;
	s2 =	simm.s32 $0x200;
	v6 =	vld [tilespmem:s31+$0x61B0]  }
.LBB2_8:
0xfc: {  	s3 =	sshra.s32 s2, $0x2;
	p0 =	sne.s32 s2, $0x1E00;
	s2 =	sadd.s32 $0x200, s2;
	v1 =	vadd.f32 v0, v1  }
.Ltmp3:
0xfd: {  	v0 =	vld [tilespmem:s3+$0x61C0];
	v4 =	vadd.f32 v3, v4;
	(pc) =	sbr.rel @p0 .LBB2_8-.Ltmp3, $4  }
0xfe: {  	v3 =	vld [tilespmem:s3+$0x6180];
	v7 =	vadd.f32 v2, v7  }
0xff: {  	v2 =	vld [tilespmem:s3+$0x6190];
	v9 =	vadd.f32 v5, v9  }
0x100: {  	v5 =	vld [tilespmem:s3+$0x61A0];
	v8 =	vadd.f32 v6, v8  }
0x101: {  	v6 =	vld [tilespmem:s3+$0x61B0]  }
0x102: {  	_ =	sdelay $0x1  }
0x103: {  	v3 =	vadd.f32 v3, v4  }
0x104: {  	v53 =	vadd.f32 v5, v9  }
0x105: {  	v2 =	vadd.f32 v2, v7;
	(xrf2) =	vadd.scan.msk.f32 $0xffff, v3  }
0x106: {  	v54 =	vadd.f32 v6, v8;
	(xrf2) =	vadd.scan.msk.f32 $0xffff, v53  }
0x107: {  	v0 =	vadd.f32 v0, v1;
	(xrf2) =	vadd.scan.msk.f32 $0xffff, v2  }
0x108: {  	(xrf2) =	vadd.scan.msk.f32 $0xffff, v54  }
0x109: {  	(xrf2) =	vadd.scan.msk.f32 $0xffff, v0;
	_ =	sdelay $0x5  }
0x10a: {  	v55, _, _ =	vpop (xrf2)  }
0x10b: {  	v56, _, _ =	vpop (xrf2)  }
0x10c: {  	v2, _, _ =	vpop (xrf2)  }
0x10d: {  	v3, _, _ =	vpop (xrf2)  }
0x10e: {  	v57, _, _ =	vpop (xrf2)  }
0x10f: {  	v2 =	vbroadcast v2, $0xF;
	v4 =	vbroadcast v57, $0xF;
	_ =	sdelay $0x1  }
0x110: {  	(erf) = vrcp.f32 v2;
	v58 =	vmax.f32 v4, $1.000000000e+00  }
0x111: {  	(erf) = vrcp.f32 v58;
	_ =	sdelay $0x2  }
0x112: {  	v59 =	vld.msk [tilespmem:$0x0 ss:$0x0], $0xffff;
	_ =	sdelay $0x2  }
0x113: {  	v1 =	vbroadcast v56, $0xF  }
0x114: {  	v0 =	vbroadcast v55, $0xF  }
0x115: {  	v1 =	vmul.f32 v59, v1;
	v61 =	vbroadcast v3, $0xF;
	v60 =	vpop (erf)  }
0x116: {  	v62 =	vpop (erf)  }
0x117: {  	v0 =	vsub.f32 v0, v1;
	v63 =	vmul.f32 v62, v61;
	_ =	sdelay $0x1  }
0x118: {  	v0 =	vmul.f32 v0, v60;
	v1 =	vmul.f32 $1.000000010e-01, v63;
	_ =	sdelay $0x1  }
0x119: {  	v0 =	vadd.f32 v0, v1  }
0x11a: {  	vm0 =	vgt.f32 v4, $0.0e+00  }
0x11b: {  	v0 =	vnsel vm0, $0x0, v0  }
0x11c: {  	s2 =	simm.s32 $0x0;
	s3 =	simm.s32 $0x6980;
	s31 =	simm.s32 $0x2;
	[tilespmem:$0x6980] =	vst v0  }
0x11d: {  	[hbm4b:s1+s2] =	stream.linear.scatter [tilespmem:s3], [sflag:$0x2], $0x80, $0x38;
	[tilespmem:$0x7600] =	vst v63  }
0x11e: {  	_ =	swait.ge [sflag:s31], $0x80  }
0x11f: {  	[sflag:s31] =	ssyncset.done $0x0  }
0x120: {  	[sflag:s31] =	ssyncadd.s32 $0xFFFFFF80  }
0x121: {  	_ =	sfence.sel $0x180000  }
0x122: {  	[bflag:$0x0] =	sbarrier.arrive $0xFFFF  }
0x123: {  	_ =	strace $0x90000047  }
0x124: {  	s0 =	sadd.s32 $0x100000, s0;
	[bflag:$0x2] =	sbarrier.arrive $0xFFFF  }
0x125: {  	[sflag:s0] =	ssyncadd.tile.s32 $0x1;
	_ =	shalt  }
.Lfunc_end2:
_tile_overlayer_lowered:
.L_overlay_start_2:
0x126: {  	(tag) =	ssettag $0x2  }
0x127: {  	s0 =	rddreg [dreg:$0x0];
	s2 =	stileid.u32  }
0x128: {  	s1 =	rddreg [dreg:$0x1];
	p0 =	sne.s32 s2, $0x0  }
0x129: {  	s3 =	rddreg [dreg:$0x2];
	[bflag:$0x3] =	sbarrier.arrive $0xFFFF;
	s2 =	simm.s32 @!p0 $0x1C02  }
0x12a: {  	[timem:s3], [sflag:s2] =	dma.local @!p0 [hbm:s0], s1  }
0x12b: {  	s0 =	simm.s32 @!p0 $0x2  }
0x12c: {  	_ =	swait.ge @!p0 [sflag:s0], s1  }
0x12d: {  	s1 =	ssub.s32 @!p0 $0x0, s1;
	[sflag:s0] =	ssyncset.done @!p0 $0x0  }
0x12e: {  	[sflag:s0] =	ssyncadd.s32 @!p0 s1  }
0x12f: {  	[bflag:$0x3] =	sbarrier.arrive $0xFFFF  }
0x130: {  	_ =	shalt  }

</sc_bundles>
